<compile_context>
chip_gen: v7x
topology: tpu7x:2x2x1
jax: 0.10.2.dev20260603
libtpu: 0.0.44.dev20260713+nightly
codegen_flags: <defaults>
</compile_context>

<pallas_src>
import functools

import jax
import jax.numpy as jnp
from jax import lax
from jax.experimental import pallas as pl
from jax.experimental.pallas import tpu as pltpu
from jax.experimental.pallas import tpu_sc as plsc

NNODE = 10000
NEDGE = 320000
NFEAT = 128

NC = 2
NS = 16
NW = NC * NS
CHUNK = 64
NCH = 160
EPW = NCH * CHUNK
ACCR = 10112
STRIPE = ACCR // NS

_mesh = plsc.VectorSubcoreMesh(
    core_axis_name="c", subcore_axis_name="s", num_cores=NC, num_subcores=NS
)


@functools.partial(
    pl.kernel,
    out_type=jax.ShapeDtypeStruct((NC, ACCR, NFEAT), jnp.float32),
    mesh=_mesh,
    scratch_types=[
        pltpu.VMEM_SHARED((ACCR, NFEAT), jnp.float32),
        pltpu.VMEM((NCH, CHUNK), jnp.int32),
        pltpu.VMEM((CHUNK, NFEAT), jnp.float32),
        [pltpu.SemaphoreType.DMA] * 2,
    ],
)
def _sc_degree(dst_hbm, ones_hbm, zero_hbm, out_hbm, dacc, dst_v, ones_v, ssems):
    c = lax.axis_index("c")
    s = lax.axis_index("s")
    r0 = s * STRIPE
    pltpu.sync_copy(zero_hbm.at[pl.ds(r0, STRIPE)], dacc.at[pl.ds(r0, STRIPE)])
    pltpu.sync_copy(dst_hbm.at[c, s], dst_v)
    pltpu.sync_copy(ones_hbm, ones_v)
    plsc.subcore_barrier()

    pltpu.async_copy(ones_v, dacc.at[dst_v.at[0]], ssems[0], add=True)

    @pl.loop(1, NCH)
    def _(j):
        for b in range(2):

            @pl.when(j % 2 == b)
            def _():
                pltpu.async_copy(ones_v, dacc.at[dst_v.at[j]], ssems[b], add=True)
                pltpu.make_async_copy(
                    ones_v, dacc.at[dst_v.at[j - 1]], ssems[1 - b]
                ).wait()

    pltpu.make_async_copy(
        ones_v, dacc.at[dst_v.at[NCH - 1]], ssems[(NCH - 1) % 2]
    ).wait()
    plsc.subcore_barrier()
    pltpu.sync_copy(dacc.at[pl.ds(r0, STRIPE)], out_hbm.at[c, pl.ds(r0, STRIPE)])


_NSPLIT = 1


def _split_gather(y_hbm, ib, buf, sem):
    h = CHUNK // _NSPLIT
    for k in range(_NSPLIT):
        pltpu.async_copy(
            y_hbm.at[ib.at[0, pl.ds(k * h, h)]], buf.at[pl.ds(k * h, h)], sem
        )


@functools.partial(
    pl.kernel,
    out_type=jax.ShapeDtypeStruct((NC, ACCR, NFEAT), jnp.float32),
    mesh=_mesh,
    scratch_types=[
        pltpu.VMEM_SHARED((ACCR, NFEAT), jnp.float32),
        [pltpu.VMEM((2, CHUNK), jnp.int32)] * 4,
        [pltpu.VMEM((CHUNK, NFEAT), jnp.float32)] * 2,
        [pltpu.SemaphoreType.DMA] * 2,
        [pltpu.SemaphoreType.DMA] * 4,
        [pltpu.SemaphoreType.DMA] * 2,
    ],
)
def _sc_hop(y_hbm, sd_hbm, zero_hbm, out_hbm, acc, ibs, bufs, sems, isems, ssems):
    c = lax.axis_index("c")
    s = lax.axis_index("s")
    r0 = s * STRIPE
    pltpu.sync_copy(zero_hbm.at[pl.ds(r0, STRIPE)], acc.at[pl.ds(r0, STRIPE)])

    pltpu.sync_copy(sd_hbm.at[c, s, 0], ibs[0])
    for q in (1, 2):
        pltpu.async_copy(sd_hbm.at[c, s, q], ibs[q], isems[q])
    plsc.subcore_barrier()
    _split_gather(y_hbm, ibs[0], bufs[0], sems[0])

    @pl.loop(0, NCH, step=4)
    def _(g):
        for q in range(4):
            j = g + q
            b = q % 2
            nb = (b + 1) % 2
            nq = (q + 1) % 4
            pq = (q + 3) % 4

            @pl.when(j > 0)
            def _():
                pltpu.make_async_copy(
                    bufs[nb], acc.at[ibs[pq].at[1]], ssems[nb]
                ).wait()

            @pl.when(j + 1 < NCH)
            def _():
                pltpu.make_async_copy(sd_hbm.at[c, s, j + 1], ibs[nq], isems[nq]).wait()
                _split_gather(y_hbm, ibs[nq], bufs[nb], sems[nb])

            @pl.when(j + 3 < NCH)
            def _():
                pltpu.async_copy(sd_hbm.at[c, s, j + 3], ibs[pq], isems[pq])

            pltpu.make_async_copy(y_hbm.at[ibs[q].at[0]], bufs[b], sems[b]).wait()
            pltpu.async_copy(bufs[b], acc.at[ibs[q].at[1]], ssems[b], add=True)

    pltpu.make_async_copy(
        bufs[(NCH - 1) % 2], acc.at[ibs[(NCH - 1) % 4].at[1]], ssems[(NCH - 1) % 2]
    ).wait()
    plsc.subcore_barrier()
    pltpu.sync_copy(acc.at[pl.ds(r0, STRIPE)], out_hbm.at[c, pl.ds(r0, STRIPE)])


def _deg(d0, d1):
    return 1.0 + d0[:NNODE, 0:1] + d1[:NNODE, 0:1]


def _tc_scale_body(x_ref, d0_ref, d1_ref, y_ref):
    deg = _deg(d0_ref[...], d1_ref[...])
    y_ref[...] = x_ref[...] * lax.rsqrt(deg)


def _tc_combine_body(y_ref, a0_ref, a1_ref, d0_ref, d1_ref, y2_ref):
    deg = _deg(d0_ref[...], d1_ref[...])
    z = y_ref[...] + a0_ref[...][:NNODE] + a1_ref[...][:NNODE]
    y2_ref[...] = z / deg


def _tc_final_body(y2_ref, a0_ref, a1_ref, d0_ref, d1_ref, w_ref, b_ref, o_ref):
    deg = _deg(d0_ref[...], d1_ref[...])
    t = (y2_ref[...] + a0_ref[...][:NNODE] + a1_ref[...][:NNODE]) * lax.rsqrt(deg)
    o_ref[...] = (
        jnp.dot(t, w_ref[...], preferred_element_type=jnp.float32) + b_ref[...]
    )


def kernel(x, edge_index, W, b):
    f32 = jnp.float32
    ppw = EPW - NEDGE // NW
    src = jnp.concatenate(
        [
            edge_index[0].reshape(NW, NEDGE // NW),
            jnp.zeros((NW, ppw), jnp.int32),
        ],
        axis=1,
    ).reshape(NC, NS, NCH, CHUNK)
    dst = jnp.concatenate(
        [
            edge_index[1].reshape(NW, NEDGE // NW),
            NNODE
            + (jnp.arange(NW * ppw, dtype=jnp.int32) % (ACCR - NNODE)).reshape(
                NW, ppw
            ),
        ],
        axis=1,
    ).reshape(NC, NS, NCH, CHUNK)
    sd = jnp.stack([src, dst], axis=3)

    ones_rows = jnp.ones((CHUNK, NFEAT), f32)
    zero_big = jnp.zeros((ACCR, NFEAT), f32)

    dparts = _sc_degree(dst, ones_rows, zero_big)
    d0, d1 = dparts[0], dparts[1]

    y = pl.pallas_call(
        _tc_scale_body,
        out_shape=jax.ShapeDtypeStruct((NNODE, NFEAT), f32),
    )(x, d0, d1)

    accs = _sc_hop(y, sd, zero_big)
    y2 = pl.pallas_call(
        _tc_combine_body,
        out_shape=jax.ShapeDtypeStruct((NNODE, NFEAT), f32),
    )(y, accs[0], accs[1], d0, d1)

    accs2 = _sc_hop(y2, sd, zero_big)
    out = pl.pallas_call(
        _tc_final_body,
        out_shape=jax.ShapeDtypeStruct((NNODE, NFEAT), f32),
    )(y2, accs2[0], accs2[1], d0, d1, W, b.reshape(1, NFEAT))
    return out

# --- scband reference (transcript-rebuilt; emitter-appended) ---
"""Pipeline reference for scband-sgc-24919400251511 (READ-ONLY COPY).

The authoritative reference and input builder live on the scoring server;
editing this copy changes nothing except your own understanding.
"""

import jax, jax.numpy as jnp
import numpy as np

N = 10000
E = 320000
M = 128
MY = 128
K = 2


def setup_inputs(seed: int = 0) -> dict:
    key = jax.random.key(seed)
    k1, k2, k3 = jax.random.split(key, 3)
    x = jax.random.normal(k1, (N, M), dtype=jnp.float32)
    edge_index = jax.random.randint(k2, (2, E), 0, N, dtype=jnp.int32)
    # SGConv linear layer params (glorot-ish init)
    W = jax.random.normal(k3, (M, MY), dtype=jnp.float32) * (1.0 / np.sqrt(M))
    b = jnp.zeros((MY,), dtype=jnp.float32)
    return {"x": x, "edge_index": edge_index, "W": W, "b": b}


def reference(x, edge_index, W, b):
    # SGConv: out = (D^{-1/2} (A + I) D^{-1/2})^K x W + b
    src = edge_index[0]
    dst = edge_index[1]
    loop = jnp.arange(N, dtype=edge_index.dtype)
    src = jnp.concatenate([src, loop])
    dst = jnp.concatenate([dst, loop])
    ew = jnp.ones((src.shape[0],), dtype=x.dtype)
    deg = jax.ops.segment_sum(ew, dst, num_segments=N)
    deg_inv_sqrt = jnp.where(deg > 0, jax.lax.rsqrt(jnp.maximum(deg, 1e-12)), 0.0)
    norm = deg_inv_sqrt[src] * deg_inv_sqrt[dst]
    h = x
    for _ in range(K):
        msg = h[src] * norm[:, None]
        h = jax.ops.segment_sum(msg, dst, num_segments=N)
    out = h @ W + b
    return out

if __name__ == "__main__":
    import jax
    _d = setup_inputs()
    print(jax.jit(kernel)(*tuple(_d.values())))

</pallas_src>

<mosaic_0001>
#map = affine_map<(d0, d1) -> (0, 0, 0, 0)>
#map1 = affine_map<(d0, d1) -> (0, 0)>
#map2 = affine_map<(d0, d1) -> (0, 0, 0)>
module attributes {stable_mosaic.version = 14 : i64} {
  func.func @_sc_degree(%arg0: i32, %arg1: i32, %arg2: memref<2x16x160x64xi32, #tpu.memory_space<hbm>>, %arg3: memref<64x128xf32, #tpu.memory_space<hbm>>, %arg4: memref<10112x128xf32, #tpu.memory_space<hbm>>, %arg5: memref<2x10112x128xf32, #tpu.memory_space<hbm>>, %arg6: memref<10112x128xf32, #tpu.memory_space<vmem_shared>>, %arg7: memref<160x64xi32, #tpu.memory_space<vmem>>, %arg8: memref<64x128xf32, #tpu.memory_space<vmem>>, %arg9: memref<!tpu.dma_semaphore, #tpu.memory_space<semaphore_mem>>, %arg10: memref<!tpu.dma_semaphore, #tpu.memory_space<semaphore_mem>>) attributes {dimension_semantics = [#tpu.dimension_semantics<core_parallel>, #tpu.dimension_semantics<subcore_parallel>], iteration_bounds = array<i64: 2, 16>, scalar_prefetch = 0 : i64, scratch_operands = 5 : i64, tpu.core_type = #tpu.core_type<sc_vector_subcore>, window_params = [{transform_indices = #map}, {transform_indices = #map1}, {transform_indices = #map1}, {transform_indices = #map2}]} {
    %mul3A = arith.constant 632 : i32
    %mul3A_0 = arith.muli %arg1, %mul3A : i32
    "tpu.region"() ({
      %run_scoped3A = tpu.sem_alloc : memref<!tpu.dma_semaphore, #tpu.memory_space<semaphore_mem>>
      %dma_start3A_18 = arith.constant 0 : i32
      %dma_start3A_19 = tpu.memref_slice %arg6[%mul3A_0, %dma_start3A_18] : memref<10112x128xf32, #tpu.memory_space<vmem_shared>> -> memref<632x128xf32, #tpu.memory_space<vmem_shared>>
      %dma_start3A_20 = arith.constant 0 : i32
      %dma_start3A_21 = tpu.memref_slice %arg4[%mul3A_0, %dma_start3A_20] : memref<10112x128xf32, #tpu.memory_space<hbm>> -> memref<632x128xf32, #tpu.memory_space<hbm>>
      tpu.enqueue_dma source(%dma_start3A_21 : memref<632x128xf32, #tpu.memory_space<hbm>>) target(%dma_start3A_19 : memref<632x128xf32, #tpu.memory_space<vmem_shared>>) target_semaphore(%run_scoped3A : memref<!tpu.dma_semaphore, #tpu.memory_space<semaphore_mem>>)
      %dma_wait3A_22 = arith.constant 0 : i32
      %dma_wait3A_23 = tpu.memref_slice %arg6[%mul3A_0, %dma_wait3A_22] : memref<10112x128xf32, #tpu.memory_space<vmem_shared>> -> memref<632x128xf32, #tpu.memory_space<vmem_shared>>
      %dma_wait3A_24 = arith.constant 0 : i32
      %dma_wait3A_25 = tpu.memref_slice %arg4[%mul3A_0, %dma_wait3A_24] : memref<10112x128xf32, #tpu.memory_space<hbm>> -> memref<632x128xf32, #tpu.memory_space<hbm>>
      tpu.wait_dma2 semaphore(%run_scoped3A : memref<!tpu.dma_semaphore, #tpu.memory_space<semaphore_mem>>) src(%dma_wait3A_25 : memref<632x128xf32, #tpu.memory_space<hbm>>) dst(%dma_wait3A_23 : memref<632x128xf32, #tpu.memory_space<vmem_shared>>)
      tpu.yield
    }) : () -> ()
    "tpu.region"() ({
      %run_scoped3A = tpu.sem_alloc : memref<!tpu.dma_semaphore, #tpu.memory_space<semaphore_mem>>
      %dma_start3A_18 = arith.constant 0 : i32
      %dma_start3A_19 = arith.constant 0 : i32
      %dma_start3A_20 = tpu.memref_slice %arg2[%arg0, %arg1, %dma_start3A_18, %dma_start3A_19] : memref<2x16x160x64xi32, #tpu.memory_space<hbm>> -> memref<1x1x160x64xi32, #tpu.memory_space<hbm>>
      %dma_start3A_21 = tpu.memref_squeeze %dma_start3A_20 : memref<1x1x160x64xi32, #tpu.memory_space<hbm>> -> memref<160x64xi32, #tpu.memory_space<hbm>>
      %dma_start3A_22 = arith.constant 0 : i32
      %dma_start3A_23 = arith.constant 0 : i32
      %dma_start3A_24 = tpu.memref_slice %arg2[%arg0, %arg1, %dma_start3A_22, %dma_start3A_23] : memref<2x16x160x64xi32, #tpu.memory_space<hbm>> -> memref<1x1x160x64xi32, #tpu.memory_space<hbm>>
      %dma_start3A_25 = tpu.memref_squeeze %dma_start3A_24 : memref<1x1x160x64xi32, #tpu.memory_space<hbm>> -> memref<160x64xi32, #tpu.memory_space<hbm>>
      tpu.enqueue_dma source(%dma_start3A_25 : memref<160x64xi32, #tpu.memory_space<hbm>>) target(%arg7 : memref<160x64xi32, #tpu.memory_space<vmem>>) target_semaphore(%run_scoped3A : memref<!tpu.dma_semaphore, #tpu.memory_space<semaphore_mem>>)
      %dma_wait3A_26 = arith.constant 0 : i32
      %dma_wait3A_27 = arith.constant 0 : i32
      %dma_wait3A_28 = tpu.memref_slice %arg2[%arg0, %arg1, %dma_wait3A_26, %dma_wait3A_27] : memref<2x16x160x64xi32, #tpu.memory_space<hbm>> -> memref<1x1x160x64xi32, #tpu.memory_space<hbm>>
      %dma_wait3A_29 = tpu.memref_squeeze %dma_wait3A_28 : memref<1x1x160x64xi32, #tpu.memory_space<hbm>> -> memref<160x64xi32, #tpu.memory_space<hbm>>
      %dma_wait3A_30 = arith.constant 0 : i32
      %dma_wait3A_31 = arith.constant 0 : i32
      %dma_wait3A_32 = tpu.memref_slice %arg2[%arg0, %arg1, %dma_wait3A_30, %dma_wait3A_31] : memref<2x16x160x64xi32, #tpu.memory_space<hbm>> -> memref<1x1x160x64xi32, #tpu.memory_space<hbm>>
      %dma_wait3A_33 = tpu.memref_squeeze %dma_wait3A_32 : memref<1x1x160x64xi32, #tpu.memory_space<hbm>> -> memref<160x64xi32, #tpu.memory_space<hbm>>
      tpu.wait_dma2 semaphore(%run_scoped3A : memref<!tpu.dma_semaphore, #tpu.memory_space<semaphore_mem>>) src(%dma_wait3A_33 : memref<160x64xi32, #tpu.memory_space<hbm>>) dst(%arg7 : memref<160x64xi32, #tpu.memory_space<vmem>>)
      tpu.yield
    }) : () -> ()
    "tpu.region"() ({
      %run_scoped3A = tpu.sem_alloc : memref<!tpu.dma_semaphore, #tpu.memory_space<semaphore_mem>>
      tpu.enqueue_dma source(%arg3 : memref<64x128xf32, #tpu.memory_space<hbm>>) target(%arg8 : memref<64x128xf32, #tpu.memory_space<vmem>>) target_semaphore(%run_scoped3A : memref<!tpu.dma_semaphore, #tpu.memory_space<semaphore_mem>>)
      tpu.wait_dma2 semaphore(%run_scoped3A : memref<!tpu.dma_semaphore, #tpu.memory_space<semaphore_mem>>) src(%arg3 : memref<64x128xf32, #tpu.memory_space<hbm>>) dst(%arg8 : memref<64x128xf32, #tpu.memory_space<vmem>>)
      tpu.yield
    }) : () -> ()
    %barrier3A = arith.constant 0 : index
    tpu.barrier barrier_id(%barrier3A)
    %dma_start3A = arith.constant 0 : i32
    %dma_start3A_1 = arith.constant 0 : i32
    %dma_start3A_2 = tpu.memref_slice %arg7[%dma_start3A, %dma_start3A_1] : memref<160x64xi32, #tpu.memory_space<vmem>> -> memref<1x64xi32, #tpu.memory_space<vmem>>
    %dma_start3A_3 = tpu.memref_squeeze %dma_start3A_2 : memref<1x64xi32, #tpu.memory_space<vmem>> -> memref<64xi32, #tpu.memory_space<vmem>>
    %dma_start3A_4 = arith.constant 0 : i32
    %dma_start3A_5 = arith.constant 0 : i32
    %dma_start3A_6 = tpu.memref_slice %arg6[%dma_start3A_4, %dma_start3A_5] : memref<10112x128xf32, #tpu.memory_space<vmem_shared>> -> memref<10112x128xf32, #tpu.memory_space<vmem_shared>>
    tpu.enqueue_indirect_dma source(%arg8 : memref<64x128xf32, #tpu.memory_space<vmem>>) target(%dma_start3A_6 : memref<10112x128xf32, #tpu.memory_space<vmem_shared>>) offsets(%dma_start3A_3 : memref<64xi32, #tpu.memory_space<vmem>>) semaphore(%arg9 : memref<!tpu.dma_semaphore, #tpu.memory_space<semaphore_mem>>) {add = true}
    %scan3A = arith.constant 0 : i32
    %scan3A_7 = arith.constant 159 : i32
    %scan3A_8 = arith.addi %scan3A, %scan3A_7 : i32
    %scan3A_9 = arith.constant 1 : i32
    scf.for %scan3A_18 = %scan3A to %scan3A_8 step %scan3A_9  : i32 {
      %mul3A_19 = arith.constant 1 : i32
      %mul3A_20 = arith.muli %scan3A_18, %mul3A_19 : i32
      %add3A = arith.constant 1 : i32
      %add3A_21 = arith.addi %add3A, %mul3A_20 : i32
      %jit3A = arith.constant 2 : i32
      %eq3A = arith.constant 0 : i32
      %eq3A_22 = arith.cmpi eq, %jit3A, %eq3A : i32
      %jit3A_23 = arith.constant 1 : i32
      %select_n3A = arith.select %eq3A_22, %jit3A_23, %jit3A : i32
      %rem3A = arith.remsi %add3A_21, %select_n3A : i32
      %ne3A = arith.constant 0 : i32
      %ne3A_24 = arith.cmpi ne, %rem3A, %ne3A : i32
      %lt3A = arith.constant 0 : i32
      %lt3A_25 = arith.cmpi slt, %rem3A, %lt3A : i32
      %lt3A_26 = arith.constant 0 : i32
      %lt3A_27 = arith.cmpi slt, %select_n3A, %lt3A_26 : i32
      %ne3A_28 = arith.xori %lt3A_25, %lt3A_27 : i1
      %and3A = arith.andi %ne3A_28, %ne3A_24 : i1
      %add3A_29 = arith.addi %rem3A, %select_n3A : i32
      %select_n3A_30 = arith.select %and3A, %add3A_29, %rem3A : i32
      %eq3A_31 = arith.constant 0 : i32
      %eq3A_32 = arith.cmpi eq, %select_n3A_30, %eq3A_31 : i32
      %convert_element_type3A = arith.extui %eq3A_32 : i1 to i32
      %cond3A = arith.constant 0 : i32
      %cond3A_33 = arith.cmpi ne, %convert_element_type3A, %cond3A : i32
      scf.if %cond3A_33 {
        %dma_start3A_55 = arith.constant 0 : i32
        %dma_start3A_56 = tpu.memref_slice %arg7[%add3A_21, %dma_start3A_55] : memref<160x64xi32, #tpu.memory_space<vmem>> -> memref<1x64xi32, #tpu.memory_space<vmem>>
        %dma_start3A_57 = tpu.memref_squeeze %dma_start3A_56 : memref<1x64xi32, #tpu.memory_space<vmem>> -> memref<64xi32, #tpu.memory_space<vmem>>
        %dma_start3A_58 = arith.constant 0 : i32
        %dma_start3A_59 = arith.constant 0 : i32
        %dma_start3A_60 = tpu.memref_slice %arg6[%dma_start3A_58, %dma_start3A_59] : memref<10112x128xf32, #tpu.memory_space<vmem_shared>> -> memref<10112x128xf32, #tpu.memory_space<vmem_shared>>
        tpu.enqueue_indirect_dma source(%arg8 : memref<64x128xf32, #tpu.memory_space<vmem>>) target(%dma_start3A_60 : memref<10112x128xf32, #tpu.memory_space<vmem_shared>>) offsets(%dma_start3A_57 : memref<64xi32, #tpu.memory_space<vmem>>) semaphore(%arg9 : memref<!tpu.dma_semaphore, #tpu.memory_space<semaphore_mem>>) {add = true}
        %sub3A = arith.constant 1 : i32
        %sub3A_61 = arith.subi %add3A_21, %sub3A : i32
        %dma_wait3A_62 = arith.constant 0 : i32
        %dma_wait3A_63 = tpu.memref_slice %arg7[%sub3A_61, %dma_wait3A_62] : memref<160x64xi32, #tpu.memory_space<vmem>> -> memref<1x64xi32, #tpu.memory_space<vmem>>
        %dma_wait3A_64 = tpu.memref_squeeze %dma_wait3A_63 : memref<1x64xi32, #tpu.memory_space<vmem>> -> memref<64xi32, #tpu.memory_space<vmem>>
        %dma_wait3A_65 = arith.constant 0 : i32
        %dma_wait3A_66 = arith.constant 0 : i32
        %dma_wait3A_67 = tpu.memref_slice %arg6[%dma_wait3A_65, %dma_wait3A_66] : memref<10112x128xf32, #tpu.memory_space<vmem_shared>> -> memref<10112x128xf32, #tpu.memory_space<vmem_shared>>
        tpu.wait_indirect_dma semaphore(%arg10 : memref<!tpu.dma_semaphore, #tpu.memory_space<semaphore_mem>>) src(%arg8 : memref<64x128xf32, #tpu.memory_space<vmem>>) dst(%dma_wait3A_67 : memref<10112x128xf32, #tpu.memory_space<vmem_shared>>)
      } else {
      }
      %jit3A_34 = arith.constant 2 : i32
      %eq3A_35 = arith.constant 0 : i32
      %eq3A_36 = arith.cmpi eq, %jit3A_34, %eq3A_35 : i32
      %jit3A_37 = arith.constant 1 : i32
      %select_n3A_38 = arith.select %eq3A_36, %jit3A_37, %jit3A_34 : i32
      %rem3A_39 = arith.remsi %add3A_21, %select_n3A_38 : i32
      %ne3A_40 = arith.constant 0 : i32
      %ne3A_41 = arith.cmpi ne, %rem3A_39, %ne3A_40 : i32
      %lt3A_42 = arith.constant 0 : i32
      %lt3A_43 = arith.cmpi slt, %rem3A_39, %lt3A_42 : i32
      %lt3A_44 = arith.constant 0 : i32
      %lt3A_45 = arith.cmpi slt, %select_n3A_38, %lt3A_44 : i32
      %ne3A_46 = arith.xori %lt3A_43, %lt3A_45 : i1
      %and3A_47 = arith.andi %ne3A_46, %ne3A_41 : i1
      %add3A_48 = arith.addi %rem3A_39, %select_n3A_38 : i32
      %select_n3A_49 = arith.select %and3A_47, %add3A_48, %rem3A_39 : i32
      %eq3A_50 = arith.constant 1 : i32
      %eq3A_51 = arith.cmpi eq, %select_n3A_49, %eq3A_50 : i32
      %convert_element_type3A_52 = arith.extui %eq3A_51 : i1 to i32
      %cond3A_53 = arith.constant 0 : i32
      %cond3A_54 = arith.cmpi ne, %convert_element_type3A_52, %cond3A_53 : i32
      scf.if %cond3A_54 {
        %dma_start3A_55 = arith.constant 0 : i32
        %dma_start3A_56 = tpu.memref_slice %arg7[%add3A_21, %dma_start3A_55] : memref<160x64xi32, #tpu.memory_space<vmem>> -> memref<1x64xi32, #tpu.memory_space<vmem>>
        %dma_start3A_57 = tpu.memref_squeeze %dma_start3A_56 : memref<1x64xi32, #tpu.memory_space<vmem>> -> memref<64xi32, #tpu.memory_space<vmem>>
        %dma_start3A_58 = arith.constant 0 : i32
        %dma_start3A_59 = arith.constant 0 : i32
        %dma_start3A_60 = tpu.memref_slice %arg6[%dma_start3A_58, %dma_start3A_59] : memref<10112x128xf32, #tpu.memory_space<vmem_shared>> -> memref<10112x128xf32, #tpu.memory_space<vmem_shared>>
        tpu.enqueue_indirect_dma source(%arg8 : memref<64x128xf32, #tpu.memory_space<vmem>>) target(%dma_start3A_60 : memref<10112x128xf32, #tpu.memory_space<vmem_shared>>) offsets(%dma_start3A_57 : memref<64xi32, #tpu.memory_space<vmem>>) semaphore(%arg10 : memref<!tpu.dma_semaphore, #tpu.memory_space<semaphore_mem>>) {add = true}
        %sub3A = arith.constant 1 : i32
        %sub3A_61 = arith.subi %add3A_21, %sub3A : i32
        %dma_wait3A_62 = arith.constant 0 : i32
        %dma_wait3A_63 = tpu.memref_slice %arg7[%sub3A_61, %dma_wait3A_62] : memref<160x64xi32, #tpu.memory_space<vmem>> -> memref<1x64xi32, #tpu.memory_space<vmem>>
        %dma_wait3A_64 = tpu.memref_squeeze %dma_wait3A_63 : memref<1x64xi32, #tpu.memory_space<vmem>> -> memref<64xi32, #tpu.memory_space<vmem>>
        %dma_wait3A_65 = arith.constant 0 : i32
        %dma_wait3A_66 = arith.constant 0 : i32
        %dma_wait3A_67 = tpu.memref_slice %arg6[%dma_wait3A_65, %dma_wait3A_66] : memref<10112x128xf32, #tpu.memory_space<vmem_shared>> -> memref<10112x128xf32, #tpu.memory_space<vmem_shared>>
        tpu.wait_indirect_dma semaphore(%arg9 : memref<!tpu.dma_semaphore, #tpu.memory_space<semaphore_mem>>) src(%arg8 : memref<64x128xf32, #tpu.memory_space<vmem>>) dst(%dma_wait3A_67 : memref<10112x128xf32, #tpu.memory_space<vmem_shared>>)
      } else {
      }
    }
    %scan3A_10 = arith.constant 159 : i32
    %dma_wait3A = arith.constant 159 : i32
    %dma_wait3A_11 = arith.constant 0 : i32
    %dma_wait3A_12 = tpu.memref_slice %arg7[%dma_wait3A, %dma_wait3A_11] : memref<160x64xi32, #tpu.memory_space<vmem>> -> memref<1x64xi32, #tpu.memory_space<vmem>>
    %dma_wait3A_13 = tpu.memref_squeeze %dma_wait3A_12 : memref<1x64xi32, #tpu.memory_space<vmem>> -> memref<64xi32, #tpu.memory_space<vmem>>
    %dma_wait3A_14 = arith.constant 0 : i32
    %dma_wait3A_15 = arith.constant 0 : i32
    %dma_wait3A_16 = tpu.memref_slice %arg6[%dma_wait3A_14, %dma_wait3A_15] : memref<10112x128xf32, #tpu.memory_space<vmem_shared>> -> memref<10112x128xf32, #tpu.memory_space<vmem_shared>>
    tpu.wait_indirect_dma semaphore(%arg10 : memref<!tpu.dma_semaphore, #tpu.memory_space<semaphore_mem>>) src(%arg8 : memref<64x128xf32, #tpu.memory_space<vmem>>) dst(%dma_wait3A_16 : memref<10112x128xf32, #tpu.memory_space<vmem_shared>>)
    %barrier3A_17 = arith.constant 0 : index
    tpu.barrier barrier_id(%barrier3A_17)
    "tpu.region"() ({
      %run_scoped3A = tpu.sem_alloc : memref<!tpu.dma_semaphore, #tpu.memory_space<semaphore_mem>>
      %dma_start3A_18 = arith.constant 0 : i32
      %dma_start3A_19 = tpu.memref_slice %arg5[%arg0, %mul3A_0, %dma_start3A_18] : memref<2x10112x128xf32, #tpu.memory_space<hbm>> -> memref<1x632x128xf32, #tpu.memory_space<hbm>>
      %dma_start3A_20 = tpu.memref_squeeze %dma_start3A_19 : memref<1x632x128xf32, #tpu.memory_space<hbm>> -> memref<632x128xf32, #tpu.memory_space<hbm>>
      %dma_start3A_21 = arith.constant 0 : i32
      %dma_start3A_22 = tpu.memref_slice %arg6[%mul3A_0, %dma_start3A_21] : memref<10112x128xf32, #tpu.memory_space<vmem_shared>> -> memref<632x128xf32, #tpu.memory_space<vmem_shared>>
      tpu.enqueue_dma source(%dma_start3A_22 : memref<632x128xf32, #tpu.memory_space<vmem_shared>>) target(%dma_start3A_20 : memref<632x128xf32, #tpu.memory_space<hbm>>) target_semaphore(%run_scoped3A : memref<!tpu.dma_semaphore, #tpu.memory_space<semaphore_mem>>)
      %dma_wait3A_23 = arith.constant 0 : i32
      %dma_wait3A_24 = tpu.memref_slice %arg5[%arg0, %mul3A_0, %dma_wait3A_23] : memref<2x10112x128xf32, #tpu.memory_space<hbm>> -> memref<1x632x128xf32, #tpu.memory_space<hbm>>
      %dma_wait3A_25 = tpu.memref_squeeze %dma_wait3A_24 : memref<1x632x128xf32, #tpu.memory_space<hbm>> -> memref<632x128xf32, #tpu.memory_space<hbm>>
      %dma_wait3A_26 = arith.constant 0 : i32
      %dma_wait3A_27 = tpu.memref_slice %arg6[%mul3A_0, %dma_wait3A_26] : memref<10112x128xf32, #tpu.memory_space<vmem_shared>> -> memref<632x128xf32, #tpu.memory_space<vmem_shared>>
      tpu.wait_dma2 semaphore(%run_scoped3A : memref<!tpu.dma_semaphore, #tpu.memory_space<semaphore_mem>>) src(%dma_wait3A_27 : memref<632x128xf32, #tpu.memory_space<vmem_shared>>) dst(%dma_wait3A_25 : memref<632x128xf32, #tpu.memory_space<hbm>>)
      tpu.yield
    }) : () -> ()
    return
  }
}

#map = affine_map<(d0, d1) -> (0, 0)>
#map1 = affine_map<(d0, d1) -> (0, 0, 0, 0, 0)>
#map2 = affine_map<(d0, d1) -> (0, 0, 0)>
module attributes {stable_mosaic.version = 14 : i64} {
  func.func @_sc_hop(%arg0: i32, %arg1: i32, %arg2: memref<10000x128xf32, #tpu.memory_space<hbm>>, %arg3: memref<2x16x160x2x64xi32, #tpu.memory_space<hbm>>, %arg4: memref<10112x128xf32, #tpu.memory_space<hbm>>, %arg5: memref<2x10112x128xf32, #tpu.memory_space<hbm>>, %arg6: memref<10112x128xf32, #tpu.memory_space<vmem_shared>>, %arg7: memref<2x64xi32, #tpu.memory_space<vmem>>, %arg8: memref<2x64xi32, #tpu.memory_space<vmem>>, %arg9: memref<2x64xi32, #tpu.memory_space<vmem>>, %arg10: memref<2x64xi32, #tpu.memory_space<vmem>>, %arg11: memref<64x128xf32, #tpu.memory_space<vmem>>, %arg12: memref<64x128xf32, #tpu.memory_space<vmem>>, %arg13: memref<!tpu.dma_semaphore, #tpu.memory_space<semaphore_mem>>, %arg14: memref<!tpu.dma_semaphore, #tpu.memory_space<semaphore_mem>>, %arg15: memref<!tpu.dma_semaphore, #tpu.memory_space<semaphore_mem>>, %arg16: memref<!tpu.dma_semaphore, #tpu.memory_space<semaphore_mem>>, %arg17: memref<!tpu.dma_semaphore, #tpu.memory_space<semaphore_mem>>, %arg18: memref<!tpu.dma_semaphore, #tpu.memory_space<semaphore_mem>>, %arg19: memref<!tpu.dma_semaphore, #tpu.memory_space<semaphore_mem>>, %arg20: memref<!tpu.dma_semaphore, #tpu.memory_space<semaphore_mem>>) attributes {dimension_semantics = [#tpu.dimension_semantics<core_parallel>, #tpu.dimension_semantics<subcore_parallel>], iteration_bounds = array<i64: 2, 16>, scalar_prefetch = 0 : i64, scratch_operands = 15 : i64, tpu.core_type = #tpu.core_type<sc_vector_subcore>, window_params = [{transform_indices = #map}, {transform_indices = #map1}, {transform_indices = #map}, {transform_indices = #map2}]} {
    %mul3A = arith.constant 632 : i32
    %mul3A_0 = arith.muli %arg1, %mul3A : i32
    "tpu.region"() ({
      %run_scoped3A_39 = tpu.sem_alloc : memref<!tpu.dma_semaphore, #tpu.memory_space<semaphore_mem>>
      %dma_start3A_40 = arith.constant 0 : i32
      %dma_start3A_41 = tpu.memref_slice %arg6[%mul3A_0, %dma_start3A_40] : memref<10112x128xf32, #tpu.memory_space<vmem_shared>> -> memref<632x128xf32, #tpu.memory_space<vmem_shared>>
      %dma_start3A_42 = arith.constant 0 : i32
      %dma_start3A_43 = tpu.memref_slice %arg4[%mul3A_0, %dma_start3A_42] : memref<10112x128xf32, #tpu.memory_space<hbm>> -> memref<632x128xf32, #tpu.memory_space<hbm>>
      tpu.enqueue_dma source(%dma_start3A_43 : memref<632x128xf32, #tpu.memory_space<hbm>>) target(%dma_start3A_41 : memref<632x128xf32, #tpu.memory_space<vmem_shared>>) target_semaphore(%run_scoped3A_39 : memref<!tpu.dma_semaphore, #tpu.memory_space<semaphore_mem>>)
      %dma_wait3A_44 = arith.constant 0 : i32
      %dma_wait3A_45 = tpu.memref_slice %arg6[%mul3A_0, %dma_wait3A_44] : memref<10112x128xf32, #tpu.memory_space<vmem_shared>> -> memref<632x128xf32, #tpu.memory_space<vmem_shared>>
      %dma_wait3A_46 = arith.constant 0 : i32
      %dma_wait3A_47 = tpu.memref_slice %arg4[%mul3A_0, %dma_wait3A_46] : memref<10112x128xf32, #tpu.memory_space<hbm>> -> memref<632x128xf32, #tpu.memory_space<hbm>>
      tpu.wait_dma2 semaphore(%run_scoped3A_39 : memref<!tpu.dma_semaphore, #tpu.memory_space<semaphore_mem>>) src(%dma_wait3A_47 : memref<632x128xf32, #tpu.memory_space<hbm>>) dst(%dma_wait3A_45 : memref<632x128xf32, #tpu.memory_space<vmem_shared>>)
      tpu.yield
    }) : () -> ()
    %run_scoped3A = arith.constant 0 : i32
    "tpu.region"() ({
      %run_scoped3A_39 = tpu.sem_alloc : memref<!tpu.dma_semaphore, #tpu.memory_space<semaphore_mem>>
      %dma_start3A_40 = arith.constant 0 : i32
      %dma_start3A_41 = arith.constant 0 : i32
      %dma_start3A_42 = tpu.memref_slice %arg3[%arg0, %arg1, %run_scoped3A, %dma_start3A_40, %dma_start3A_41] : memref<2x16x160x2x64xi32, #tpu.memory_space<hbm>> -> memref<1x1x1x2x64xi32, #tpu.memory_space<hbm>>
      %dma_start3A_43 = tpu.memref_squeeze %dma_start3A_42 : memref<1x1x1x2x64xi32, #tpu.memory_space<hbm>> -> memref<2x64xi32, #tpu.memory_space<hbm>>
      %dma_start3A_44 = arith.constant 0 : i32
      %dma_start3A_45 = arith.constant 0 : i32
      %dma_start3A_46 = tpu.memref_slice %arg3[%arg0, %arg1, %run_scoped3A, %dma_start3A_44, %dma_start3A_45] : memref<2x16x160x2x64xi32, #tpu.memory_space<hbm>> -> memref<1x1x1x2x64xi32, #tpu.memory_space<hbm>>
      %dma_start3A_47 = tpu.memref_squeeze %dma_start3A_46 : memref<1x1x1x2x64xi32, #tpu.memory_space<hbm>> -> memref<2x64xi32, #tpu.memory_space<hbm>>
      tpu.enqueue_dma source(%dma_start3A_47 : memref<2x64xi32, #tpu.memory_space<hbm>>) target(%arg7 : memref<2x64xi32, #tpu.memory_space<vmem>>) target_semaphore(%run_scoped3A_39 : memref<!tpu.dma_semaphore, #tpu.memory_space<semaphore_mem>>)
      %dma_wait3A_48 = arith.constant 0 : i32
      %dma_wait3A_49 = arith.constant 0 : i32
      %dma_wait3A_50 = tpu.memref_slice %arg3[%arg0, %arg1, %run_scoped3A, %dma_wait3A_48, %dma_wait3A_49] : memref<2x16x160x2x64xi32, #tpu.memory_space<hbm>> -> memref<1x1x1x2x64xi32, #tpu.memory_space<hbm>>
      %dma_wait3A_51 = tpu.memref_squeeze %dma_wait3A_50 : memref<1x1x1x2x64xi32, #tpu.memory_space<hbm>> -> memref<2x64xi32, #tpu.memory_space<hbm>>
      %dma_wait3A_52 = arith.constant 0 : i32
      %dma_wait3A_53 = arith.constant 0 : i32
      %dma_wait3A_54 = tpu.memref_slice %arg3[%arg0, %arg1, %run_scoped3A, %dma_wait3A_52, %dma_wait3A_53] : memref<2x16x160x2x64xi32, #tpu.memory_space<hbm>> -> memref<1x1x1x2x64xi32, #tpu.memory_space<hbm>>
      %dma_wait3A_55 = tpu.memref_squeeze %dma_wait3A_54 : memref<1x1x1x2x64xi32, #tpu.memory_space<hbm>> -> memref<2x64xi32, #tpu.memory_space<hbm>>
      tpu.wait_dma2 semaphore(%run_scoped3A_39 : memref<!tpu.dma_semaphore, #tpu.memory_space<semaphore_mem>>) src(%dma_wait3A_55 : memref<2x64xi32, #tpu.memory_space<hbm>>) dst(%arg7 : memref<2x64xi32, #tpu.memory_space<vmem>>)
      tpu.yield
    }) : () -> ()
    %dma_start3A = arith.constant 1 : i32
    %dma_start3A_1 = arith.constant 0 : i32
    %dma_start3A_2 = arith.constant 0 : i32
    %dma_start3A_3 = tpu.memref_slice %arg3[%arg0, %arg1, %dma_start3A, %dma_start3A_1, %dma_start3A_2] : memref<2x16x160x2x64xi32, #tpu.memory_space<hbm>> -> memref<1x1x1x2x64xi32, #tpu.memory_space<hbm>>
    %dma_start3A_4 = tpu.memref_squeeze %dma_start3A_3 : memref<1x1x1x2x64xi32, #tpu.memory_space<hbm>> -> memref<2x64xi32, #tpu.memory_space<hbm>>
    %dma_start3A_5 = arith.constant 0 : i32
    %dma_start3A_6 = arith.constant 0 : i32
    %dma_start3A_7 = tpu.memref_slice %arg3[%arg0, %arg1, %dma_start3A, %dma_start3A_5, %dma_start3A_6] : memref<2x16x160x2x64xi32, #tpu.memory_space<hbm>> -> memref<1x1x1x2x64xi32, #tpu.memory_space<hbm>>
    %dma_start3A_8 = tpu.memref_squeeze %dma_start3A_7 : memref<1x1x1x2x64xi32, #tpu.memory_space<hbm>> -> memref<2x64xi32, #tpu.memory_space<hbm>>
    tpu.enqueue_dma source(%dma_start3A_8 : memref<2x64xi32, #tpu.memory_space<hbm>>) target(%arg8 : memref<2x64xi32, #tpu.memory_space<vmem>>) target_semaphore(%arg16 : memref<!tpu.dma_semaphore, #tpu.memory_space<semaphore_mem>>)
    %dma_start3A_9 = arith.constant 2 : i32
    %dma_start3A_10 = arith.constant 0 : i32
    %dma_start3A_11 = arith.constant 0 : i32
    %dma_start3A_12 = tpu.memref_slice %arg3[%arg0, %arg1, %dma_start3A_9, %dma_start3A_10, %dma_start3A_11] : memref<2x16x160x2x64xi32, #tpu.memory_space<hbm>> -> memref<1x1x1x2x64xi32, #tpu.memory_space<hbm>>
    %dma_start3A_13 = tpu.memref_squeeze %dma_start3A_12 : memref<1x1x1x2x64xi32, #tpu.memory_space<hbm>> -> memref<2x64xi32, #tpu.memory_space<hbm>>
    %dma_start3A_14 = arith.constant 0 : i32
    %dma_start3A_15 = arith.constant 0 : i32
    %dma_start3A_16 = tpu.memref_slice %arg3[%arg0, %arg1, %dma_start3A_9, %dma_start3A_14, %dma_start3A_15] : memref<2x16x160x2x64xi32, #tpu.memory_space<hbm>> -> memref<1x1x1x2x64xi32, #tpu.memory_space<hbm>>
    %dma_start3A_17 = tpu.memref_squeeze %dma_start3A_16 : memref<1x1x1x2x64xi32, #tpu.memory_space<hbm>> -> memref<2x64xi32, #tpu.memory_space<hbm>>
    tpu.enqueue_dma source(%dma_start3A_17 : memref<2x64xi32, #tpu.memory_space<hbm>>) target(%arg9 : memref<2x64xi32, #tpu.memory_space<vmem>>) target_semaphore(%arg17 : memref<!tpu.dma_semaphore, #tpu.memory_space<semaphore_mem>>)
    %barrier3A = arith.constant 0 : index
    tpu.barrier barrier_id(%barrier3A)
    %dma_start3A_18 = arith.constant 0 : i32
    %dma_start3A_19 = arith.constant 0 : i32
    %dma_start3A_20 = arith.constant 0 : i32
    %dma_start3A_21 = tpu.memref_slice %arg11[%dma_start3A_19, %dma_start3A_20] : memref<64x128xf32, #tpu.memory_space<vmem>> -> memref<64x128xf32, #tpu.memory_space<vmem>>
    %dma_start3A_22 = arith.constant 0 : i32
    %dma_start3A_23 = tpu.memref_slice %arg7[%dma_start3A_18, %dma_start3A_22] : memref<2x64xi32, #tpu.memory_space<vmem>> -> memref<1x64xi32, #tpu.memory_space<vmem>>
    %dma_start3A_24 = tpu.memref_squeeze %dma_start3A_23 : memref<1x64xi32, #tpu.memory_space<vmem>> -> memref<64xi32, #tpu.memory_space<vmem>>
    %dma_start3A_25 = arith.constant 0 : i32
    %dma_start3A_26 = arith.constant 0 : i32
    %dma_start3A_27 = tpu.memref_slice %arg2[%dma_start3A_25, %dma_start3A_26] : memref<10000x128xf32, #tpu.memory_space<hbm>> -> memref<10000x128xf32, #tpu.memory_space<hbm>>
    tpu.enqueue_indirect_dma source(%dma_start3A_27 : memref<10000x128xf32, #tpu.memory_space<hbm>>) target(%dma_start3A_21 : memref<64x128xf32, #tpu.memory_space<vmem>>) offsets(%dma_start3A_24 : memref<64xi32, #tpu.memory_space<vmem>>) semaphore(%arg13 : memref<!tpu.dma_semaphore, #tpu.memory_space<semaphore_mem>>)
    %scan3A = arith.constant 0 : i32
    %scan3A_28 = arith.constant 40 : i32
    %scan3A_29 = arith.addi %scan3A, %scan3A_28 : i32
    %scan3A_30 = arith.constant 1 : i32
    scf.for %scan3A_39 = %scan3A to %scan3A_29 step %scan3A_30  : i32 {
      %mul3A_40 = arith.constant 4 : i32
      %mul3A_41 = arith.muli %scan3A_39, %mul3A_40 : i32
      %add3A = arith.constant 0 : i32
      %add3A_42 = arith.addi %add3A, %mul3A_41 : i32
      %add3A_43 = arith.constant 0 : i32
      %add3A_44 = arith.addi %add3A_42, %add3A_43 : i32
      %gt3A = arith.constant 0 : i32
      %gt3A_45 = arith.cmpi sgt, %add3A_44, %gt3A : i32
      %convert_element_type3A = arith.extui %gt3A_45 : i1 to i32
      %cond3A = arith.constant 0 : i32
      %cond3A_46 = arith.cmpi ne, %convert_element_type3A, %cond3A : i32
      scf.if %cond3A_46 {
        %dma_wait3A_179 = arith.constant 1 : i32
        %dma_wait3A_180 = arith.constant 0 : i32
        %dma_wait3A_181 = tpu.memref_slice %arg10[%dma_wait3A_179, %dma_wait3A_180] : memref<2x64xi32, #tpu.memory_space<vmem>> -> memref<1x64xi32, #tpu.memory_space<vmem>>
        %dma_wait3A_182 = tpu.memref_squeeze %dma_wait3A_181 : memref<1x64xi32, #tpu.memory_space<vmem>> -> memref<64xi32, #tpu.memory_space<vmem>>
        %dma_wait3A_183 = arith.constant 0 : i32
        %dma_wait3A_184 = arith.constant 0 : i32
        %dma_wait3A_185 = tpu.memref_slice %arg6[%dma_wait3A_183, %dma_wait3A_184] : memref<10112x128xf32, #tpu.memory_space<vmem_shared>> -> memref<10112x128xf32, #tpu.memory_space<vmem_shared>>
        tpu.wait_indirect_dma semaphore(%arg20 : memref<!tpu.dma_semaphore, #tpu.memory_space<semaphore_mem>>) src(%arg12 : memref<64x128xf32, #tpu.memory_space<vmem>>) dst(%dma_wait3A_185 : memref<10112x128xf32, #tpu.memory_space<vmem_shared>>)
      } else {
      }
      %add3A_47 = arith.constant 1 : i32
      %add3A_48 = arith.addi %add3A_44, %add3A_47 : i32
      %lt3A = arith.constant 160 : i32
      %lt3A_49 = arith.cmpi slt, %add3A_48, %lt3A : i32
      %convert_element_type3A_50 = arith.extui %lt3A_49 : i1 to i32
      %cond3A_51 = arith.constant 0 : i32
      %cond3A_52 = arith.cmpi ne, %convert_element_type3A_50, %cond3A_51 : i32
      scf.if %cond3A_52 {
        %add3A_179 = arith.constant 1 : i32
        %add3A_180 = arith.addi %add3A_44, %add3A_179 : i32
        %dma_wait3A_181 = arith.constant 0 : i32
        %dma_wait3A_182 = arith.constant 0 : i32
        %dma_wait3A_183 = tpu.memref_slice %arg3[%arg0, %arg1, %add3A_180, %dma_wait3A_181, %dma_wait3A_182] : memref<2x16x160x2x64xi32, #tpu.memory_space<hbm>> -> memref<1x1x1x2x64xi32, #tpu.memory_space<hbm>>
        %dma_wait3A_184 = tpu.memref_squeeze %dma_wait3A_183 : memref<1x1x1x2x64xi32, #tpu.memory_space<hbm>> -> memref<2x64xi32, #tpu.memory_space<hbm>>
        %dma_wait3A_185 = arith.constant 0 : i32
        %dma_wait3A_186 = arith.constant 0 : i32
        %dma_wait3A_187 = tpu.memref_slice %arg3[%arg0, %arg1, %add3A_180, %dma_wait3A_185, %dma_wait3A_186] : memref<2x16x160x2x64xi32, #tpu.memory_space<hbm>> -> memref<1x1x1x2x64xi32, #tpu.memory_space<hbm>>
        %dma_wait3A_188 = tpu.memref_squeeze %dma_wait3A_187 : memref<1x1x1x2x64xi32, #tpu.memory_space<hbm>> -> memref<2x64xi32, #tpu.memory_space<hbm>>
        tpu.wait_dma2 semaphore(%arg16 : memref<!tpu.dma_semaphore, #tpu.memory_space<semaphore_mem>>) src(%dma_wait3A_188 : memref<2x64xi32, #tpu.memory_space<hbm>>) dst(%arg8 : memref<2x64xi32, #tpu.memory_space<vmem>>)
        %dma_start3A_189 = arith.constant 0 : i32
        %dma_start3A_190 = arith.constant 0 : i32
        %dma_start3A_191 = arith.constant 0 : i32
        %dma_start3A_192 = tpu.memref_slice %arg12[%dma_start3A_190, %dma_start3A_191] : memref<64x128xf32, #tpu.memory_space<vmem>> -> memref<64x128xf32, #tpu.memory_space<vmem>>
        %dma_start3A_193 = arith.constant 0 : i32
        %dma_start3A_194 = tpu.memref_slice %arg8[%dma_start3A_189, %dma_start3A_193] : memref<2x64xi32, #tpu.memory_space<vmem>> -> memref<1x64xi32, #tpu.memory_space<vmem>>
        %dma_start3A_195 = tpu.memref_squeeze %dma_start3A_194 : memref<1x64xi32, #tpu.memory_space<vmem>> -> memref<64xi32, #tpu.memory_space<vmem>>
        %dma_start3A_196 = arith.constant 0 : i32
        %dma_start3A_197 = arith.constant 0 : i32
        %dma_start3A_198 = tpu.memref_slice %arg2[%dma_start3A_196, %dma_start3A_197] : memref<10000x128xf32, #tpu.memory_space<hbm>> -> memref<10000x128xf32, #tpu.memory_space<hbm>>
        tpu.enqueue_indirect_dma source(%dma_start3A_198 : memref<10000x128xf32, #tpu.memory_space<hbm>>) target(%dma_start3A_192 : memref<64x128xf32, #tpu.memory_space<vmem>>) offsets(%dma_start3A_195 : memref<64xi32, #tpu.memory_space<vmem>>) semaphore(%arg14 : memref<!tpu.dma_semaphore, #tpu.memory_space<semaphore_mem>>)
      } else {
      }
      %add3A_53 = arith.constant 3 : i32
      %add3A_54 = arith.addi %add3A_44, %add3A_53 : i32
      %lt3A_55 = arith.constant 160 : i32
      %lt3A_56 = arith.cmpi slt, %add3A_54, %lt3A_55 : i32
      %convert_element_type3A_57 = arith.extui %lt3A_56 : i1 to i32
      %cond3A_58 = arith.constant 0 : i32
      %cond3A_59 = arith.cmpi ne, %convert_element_type3A_57, %cond3A_58 : i32
      scf.if %cond3A_59 {
        %add3A_179 = arith.constant 3 : i32
        %add3A_180 = arith.addi %add3A_44, %add3A_179 : i32
        %dma_start3A_181 = arith.constant 0 : i32
        %dma_start3A_182 = arith.constant 0 : i32
        %dma_start3A_183 = tpu.memref_slice %arg3[%arg0, %arg1, %add3A_180, %dma_start3A_181, %dma_start3A_182] : memref<2x16x160x2x64xi32, #tpu.memory_space<hbm>> -> memref<1x1x1x2x64xi32, #tpu.memory_space<hbm>>
        %dma_start3A_184 = tpu.memref_squeeze %dma_start3A_183 : memref<1x1x1x2x64xi32, #tpu.memory_space<hbm>> -> memref<2x64xi32, #tpu.memory_space<hbm>>
        %dma_start3A_185 = arith.constant 0 : i32
        %dma_start3A_186 = arith.constant 0 : i32
        %dma_start3A_187 = tpu.memref_slice %arg3[%arg0, %arg1, %add3A_180, %dma_start3A_185, %dma_start3A_186] : memref<2x16x160x2x64xi32, #tpu.memory_space<hbm>> -> memref<1x1x1x2x64xi32, #tpu.memory_space<hbm>>
        %dma_start3A_188 = tpu.memref_squeeze %dma_start3A_187 : memref<1x1x1x2x64xi32, #tpu.memory_space<hbm>> -> memref<2x64xi32, #tpu.memory_space<hbm>>
        tpu.enqueue_dma source(%dma_start3A_188 : memref<2x64xi32, #tpu.memory_space<hbm>>) target(%arg10 : memref<2x64xi32, #tpu.memory_space<vmem>>) target_semaphore(%arg18 : memref<!tpu.dma_semaphore, #tpu.memory_space<semaphore_mem>>)
      } else {
      }
      %dma_wait3A_60 = arith.constant 0 : i32
      %dma_wait3A_61 = arith.constant 0 : i32
      %dma_wait3A_62 = tpu.memref_slice %arg7[%dma_wait3A_60, %dma_wait3A_61] : memref<2x64xi32, #tpu.memory_space<vmem>> -> memref<1x64xi32, #tpu.memory_space<vmem>>
      %dma_wait3A_63 = tpu.memref_squeeze %dma_wait3A_62 : memref<1x64xi32, #tpu.memory_space<vmem>> -> memref<64xi32, #tpu.memory_space<vmem>>
      %dma_wait3A_64 = arith.constant 0 : i32
      %dma_wait3A_65 = arith.constant 0 : i32
      %dma_wait3A_66 = tpu.memref_slice %arg2[%dma_wait3A_64, %dma_wait3A_65] : memref<10000x128xf32, #tpu.memory_space<hbm>> -> memref<10000x128xf32, #tpu.memory_space<hbm>>
      tpu.wait_indirect_dma semaphore(%arg13 : memref<!tpu.dma_semaphore, #tpu.memory_space<semaphore_mem>>) src(%dma_wait3A_66 : memref<10000x128xf32, #tpu.memory_space<hbm>>) dst(%arg11 : memref<64x128xf32, #tpu.memory_space<vmem>>)
      %dma_start3A_67 = arith.constant 1 : i32
      %dma_start3A_68 = arith.constant 0 : i32
      %dma_start3A_69 = tpu.memref_slice %arg7[%dma_start3A_67, %dma_start3A_68] : memref<2x64xi32, #tpu.memory_space<vmem>> -> memref<1x64xi32, #tpu.memory_space<vmem>>
      %dma_start3A_70 = tpu.memref_squeeze %dma_start3A_69 : memref<1x64xi32, #tpu.memory_space<vmem>> -> memref<64xi32, #tpu.memory_space<vmem>>
      %dma_start3A_71 = arith.constant 0 : i32
      %dma_start3A_72 = arith.constant 0 : i32
      %dma_start3A_73 = tpu.memref_slice %arg6[%dma_start3A_71, %dma_start3A_72] : memref<10112x128xf32, #tpu.memory_space<vmem_shared>> -> memref<10112x128xf32, #tpu.memory_space<vmem_shared>>
      tpu.enqueue_indirect_dma source(%arg11 : memref<64x128xf32, #tpu.memory_space<vmem>>) target(%dma_start3A_73 : memref<10112x128xf32, #tpu.memory_space<vmem_shared>>) offsets(%dma_start3A_70 : memref<64xi32, #tpu.memory_space<vmem>>) semaphore(%arg19 : memref<!tpu.dma_semaphore, #tpu.memory_space<semaphore_mem>>) {add = true}
      %add3A_74 = arith.constant 1 : i32
      %add3A_75 = arith.addi %add3A_42, %add3A_74 : i32
      %gt3A_76 = arith.constant 0 : i32
      %gt3A_77 = arith.cmpi sgt, %add3A_75, %gt3A_76 : i32
      %convert_element_type3A_78 = arith.extui %gt3A_77 : i1 to i32
      %cond3A_79 = arith.constant 0 : i32
      %cond3A_80 = arith.cmpi ne, %convert_element_type3A_78, %cond3A_79 : i32
      scf.if %cond3A_80 {
        %dma_wait3A_179 = arith.constant 1 : i32
        %dma_wait3A_180 = arith.constant 0 : i32
        %dma_wait3A_181 = tpu.memref_slice %arg7[%dma_wait3A_179, %dma_wait3A_180] : memref<2x64xi32, #tpu.memory_space<vmem>> -> memref<1x64xi32, #tpu.memory_space<vmem>>
        %dma_wait3A_182 = tpu.memref_squeeze %dma_wait3A_181 : memref<1x64xi32, #tpu.memory_space<vmem>> -> memref<64xi32, #tpu.memory_space<vmem>>
        %dma_wait3A_183 = arith.constant 0 : i32
        %dma_wait3A_184 = arith.constant 0 : i32
        %dma_wait3A_185 = tpu.memref_slice %arg6[%dma_wait3A_183, %dma_wait3A_184] : memref<10112x128xf32, #tpu.memory_space<vmem_shared>> -> memref<10112x128xf32, #tpu.memory_space<vmem_shared>>
        tpu.wait_indirect_dma semaphore(%arg19 : memref<!tpu.dma_semaphore, #tpu.memory_space<semaphore_mem>>) src(%arg11 : memref<64x128xf32, #tpu.memory_space<vmem>>) dst(%dma_wait3A_185 : memref<10112x128xf32, #tpu.memory_space<vmem_shared>>)
      } else {
      }
      %add3A_81 = arith.constant 1 : i32
      %add3A_82 = arith.addi %add3A_75, %add3A_81 : i32
      %lt3A_83 = arith.constant 160 : i32
      %lt3A_84 = arith.cmpi slt, %add3A_82, %lt3A_83 : i32
      %convert_element_type3A_85 = arith.extui %lt3A_84 : i1 to i32
      %cond3A_86 = arith.constant 0 : i32
      %cond3A_87 = arith.cmpi ne, %convert_element_type3A_85, %cond3A_86 : i32
      scf.if %cond3A_87 {
        %add3A_179 = arith.constant 1 : i32
        %add3A_180 = arith.addi %add3A_75, %add3A_179 : i32
        %dma_wait3A_181 = arith.constant 0 : i32
        %dma_wait3A_182 = arith.constant 0 : i32
        %dma_wait3A_183 = tpu.memref_slice %arg3[%arg0, %arg1, %add3A_180, %dma_wait3A_181, %dma_wait3A_182] : memref<2x16x160x2x64xi32, #tpu.memory_space<hbm>> -> memref<1x1x1x2x64xi32, #tpu.memory_space<hbm>>
        %dma_wait3A_184 = tpu.memref_squeeze %dma_wait3A_183 : memref<1x1x1x2x64xi32, #tpu.memory_space<hbm>> -> memref<2x64xi32, #tpu.memory_space<hbm>>
        %dma_wait3A_185 = arith.constant 0 : i32
        %dma_wait3A_186 = arith.constant 0 : i32
        %dma_wait3A_187 = tpu.memref_slice %arg3[%arg0, %arg1, %add3A_180, %dma_wait3A_185, %dma_wait3A_186] : memref<2x16x160x2x64xi32, #tpu.memory_space<hbm>> -> memref<1x1x1x2x64xi32, #tpu.memory_space<hbm>>
        %dma_wait3A_188 = tpu.memref_squeeze %dma_wait3A_187 : memref<1x1x1x2x64xi32, #tpu.memory_space<hbm>> -> memref<2x64xi32, #tpu.memory_space<hbm>>
        tpu.wait_dma2 semaphore(%arg17 : memref<!tpu.dma_semaphore, #tpu.memory_space<semaphore_mem>>) src(%dma_wait3A_188 : memref<2x64xi32, #tpu.memory_space<hbm>>) dst(%arg9 : memref<2x64xi32, #tpu.memory_space<vmem>>)
        %dma_start3A_189 = arith.constant 0 : i32
        %dma_start3A_190 = arith.constant 0 : i32
        %dma_start3A_191 = arith.constant 0 : i32
        %dma_start3A_192 = tpu.memref_slice %arg11[%dma_start3A_190, %dma_start3A_191] : memref<64x128xf32, #tpu.memory_space<vmem>> -> memref<64x128xf32, #tpu.memory_space<vmem>>
        %dma_start3A_193 = arith.constant 0 : i32
        %dma_start3A_194 = tpu.memref_slice %arg9[%dma_start3A_189, %dma_start3A_193] : memref<2x64xi32, #tpu.memory_space<vmem>> -> memref<1x64xi32, #tpu.memory_space<vmem>>
        %dma_start3A_195 = tpu.memref_squeeze %dma_start3A_194 : memref<1x64xi32, #tpu.memory_space<vmem>> -> memref<64xi32, #tpu.memory_space<vmem>>
        %dma_start3A_196 = arith.constant 0 : i32
        %dma_start3A_197 = arith.constant 0 : i32
        %dma_start3A_198 = tpu.memref_slice %arg2[%dma_start3A_196, %dma_start3A_197] : memref<10000x128xf32, #tpu.memory_space<hbm>> -> memref<10000x128xf32, #tpu.memory_space<hbm>>
        tpu.enqueue_indirect_dma source(%dma_start3A_198 : memref<10000x128xf32, #tpu.memory_space<hbm>>) target(%dma_start3A_192 : memref<64x128xf32, #tpu.memory_space<vmem>>) offsets(%dma_start3A_195 : memref<64xi32, #tpu.memory_space<vmem>>) semaphore(%arg13 : memref<!tpu.dma_semaphore, #tpu.memory_space<semaphore_mem>>)
      } else {
      }
      %add3A_88 = arith.constant 3 : i32
      %add3A_89 = arith.addi %add3A_75, %add3A_88 : i32
      %lt3A_90 = arith.constant 160 : i32
      %lt3A_91 = arith.cmpi slt, %add3A_89, %lt3A_90 : i32
      %convert_element_type3A_92 = arith.extui %lt3A_91 : i1 to i32
      %cond3A_93 = arith.constant 0 : i32
      %cond3A_94 = arith.cmpi ne, %convert_element_type3A_92, %cond3A_93 : i32
      scf.if %cond3A_94 {
        %add3A_179 = arith.constant 3 : i32
        %add3A_180 = arith.addi %add3A_75, %add3A_179 : i32
        %dma_start3A_181 = arith.constant 0 : i32
        %dma_start3A_182 = arith.constant 0 : i32
        %dma_start3A_183 = tpu.memref_slice %arg3[%arg0, %arg1, %add3A_180, %dma_start3A_181, %dma_start3A_182] : memref<2x16x160x2x64xi32, #tpu.memory_space<hbm>> -> memref<1x1x1x2x64xi32, #tpu.memory_space<hbm>>
        %dma_start3A_184 = tpu.memref_squeeze %dma_start3A_183 : memref<1x1x1x2x64xi32, #tpu.memory_space<hbm>> -> memref<2x64xi32, #tpu.memory_space<hbm>>
        %dma_start3A_185 = arith.constant 0 : i32
        %dma_start3A_186 = arith.constant 0 : i32
        %dma_start3A_187 = tpu.memref_slice %arg3[%arg0, %arg1, %add3A_180, %dma_start3A_185, %dma_start3A_186] : memref<2x16x160x2x64xi32, #tpu.memory_space<hbm>> -> memref<1x1x1x2x64xi32, #tpu.memory_space<hbm>>
        %dma_start3A_188 = tpu.memref_squeeze %dma_start3A_187 : memref<1x1x1x2x64xi32, #tpu.memory_space<hbm>> -> memref<2x64xi32, #tpu.memory_space<hbm>>
        tpu.enqueue_dma source(%dma_start3A_188 : memref<2x64xi32, #tpu.memory_space<hbm>>) target(%arg7 : memref<2x64xi32, #tpu.memory_space<vmem>>) target_semaphore(%arg15 : memref<!tpu.dma_semaphore, #tpu.memory_space<semaphore_mem>>)
      } else {
      }
      %dma_wait3A_95 = arith.constant 0 : i32
      %dma_wait3A_96 = arith.constant 0 : i32
      %dma_wait3A_97 = tpu.memref_slice %arg8[%dma_wait3A_95, %dma_wait3A_96] : memref<2x64xi32, #tpu.memory_space<vmem>> -> memref<1x64xi32, #tpu.memory_space<vmem>>
      %dma_wait3A_98 = tpu.memref_squeeze %dma_wait3A_97 : memref<1x64xi32, #tpu.memory_space<vmem>> -> memref<64xi32, #tpu.memory_space<vmem>>
      %dma_wait3A_99 = arith.constant 0 : i32
      %dma_wait3A_100 = arith.constant 0 : i32
      %dma_wait3A_101 = tpu.memref_slice %arg2[%dma_wait3A_99, %dma_wait3A_100] : memref<10000x128xf32, #tpu.memory_space<hbm>> -> memref<10000x128xf32, #tpu.memory_space<hbm>>
      tpu.wait_indirect_dma semaphore(%arg14 : memref<!tpu.dma_semaphore, #tpu.memory_space<semaphore_mem>>) src(%dma_wait3A_101 : memref<10000x128xf32, #tpu.memory_space<hbm>>) dst(%arg12 : memref<64x128xf32, #tpu.memory_space<vmem>>)
      %dma_start3A_102 = arith.constant 1 : i32
      %dma_start3A_103 = arith.constant 0 : i32
      %dma_start3A_104 = tpu.memref_slice %arg8[%dma_start3A_102, %dma_start3A_103] : memref<2x64xi32, #tpu.memory_space<vmem>> -> memref<1x64xi32, #tpu.memory_space<vmem>>
      %dma_start3A_105 = tpu.memref_squeeze %dma_start3A_104 : memref<1x64xi32, #tpu.memory_space<vmem>> -> memref<64xi32, #tpu.memory_space<vmem>>
      %dma_start3A_106 = arith.constant 0 : i32
      %dma_start3A_107 = arith.constant 0 : i32
      %dma_start3A_108 = tpu.memref_slice %arg6[%dma_start3A_106, %dma_start3A_107] : memref<10112x128xf32, #tpu.memory_space<vmem_shared>> -> memref<10112x128xf32, #tpu.memory_space<vmem_shared>>
      tpu.enqueue_indirect_dma source(%arg12 : memref<64x128xf32, #tpu.memory_space<vmem>>) target(%dma_start3A_108 : memref<10112x128xf32, #tpu.memory_space<vmem_shared>>) offsets(%dma_start3A_105 : memref<64xi32, #tpu.memory_space<vmem>>) semaphore(%arg20 : memref<!tpu.dma_semaphore, #tpu.memory_space<semaphore_mem>>) {add = true}
      %add3A_109 = arith.constant 2 : i32
      %add3A_110 = arith.addi %add3A_42, %add3A_109 : i32
      %gt3A_111 = arith.constant 0 : i32
      %gt3A_112 = arith.cmpi sgt, %add3A_110, %gt3A_111 : i32
      %convert_element_type3A_113 = arith.extui %gt3A_112 : i1 to i32
      %cond3A_114 = arith.constant 0 : i32
      %cond3A_115 = arith.cmpi ne, %convert_element_type3A_113, %cond3A_114 : i32
      scf.if %cond3A_115 {
        %dma_wait3A_179 = arith.constant 1 : i32
        %dma_wait3A_180 = arith.constant 0 : i32
        %dma_wait3A_181 = tpu.memref_slice %arg8[%dma_wait3A_179, %dma_wait3A_180] : memref<2x64xi32, #tpu.memory_space<vmem>> -> memref<1x64xi32, #tpu.memory_space<vmem>>
        %dma_wait3A_182 = tpu.memref_squeeze %dma_wait3A_181 : memref<1x64xi32, #tpu.memory_space<vmem>> -> memref<64xi32, #tpu.memory_space<vmem>>
        %dma_wait3A_183 = arith.constant 0 : i32
        %dma_wait3A_184 = arith.constant 0 : i32
        %dma_wait3A_185 = tpu.memref_slice %arg6[%dma_wait3A_183, %dma_wait3A_184] : memref<10112x128xf32, #tpu.memory_space<vmem_shared>> -> memref<10112x128xf32, #tpu.memory_space<vmem_shared>>
        tpu.wait_indirect_dma semaphore(%arg20 : memref<!tpu.dma_semaphore, #tpu.memory_space<semaphore_mem>>) src(%arg12 : memref<64x128xf32, #tpu.memory_space<vmem>>) dst(%dma_wait3A_185 : memref<10112x128xf32, #tpu.memory_space<vmem_shared>>)
      } else {
      }
      %add3A_116 = arith.constant 1 : i32
      %add3A_117 = arith.addi %add3A_110, %add3A_116 : i32
      %lt3A_118 = arith.constant 160 : i32
      %lt3A_119 = arith.cmpi slt, %add3A_117, %lt3A_118 : i32
      %convert_element_type3A_120 = arith.extui %lt3A_119 : i1 to i32
      %cond3A_121 = arith.constant 0 : i32
      %cond3A_122 = arith.cmpi ne, %convert_element_type3A_120, %cond3A_121 : i32
      scf.if %cond3A_122 {
        %add3A_179 = arith.constant 1 : i32
        %add3A_180 = arith.addi %add3A_110, %add3A_179 : i32
        %dma_wait3A_181 = arith.constant 0 : i32
        %dma_wait3A_182 = arith.constant 0 : i32
        %dma_wait3A_183 = tpu.memref_slice %arg3[%arg0, %arg1, %add3A_180, %dma_wait3A_181, %dma_wait3A_182] : memref<2x16x160x2x64xi32, #tpu.memory_space<hbm>> -> memref<1x1x1x2x64xi32, #tpu.memory_space<hbm>>
        %dma_wait3A_184 = tpu.memref_squeeze %dma_wait3A_183 : memref<1x1x1x2x64xi32, #tpu.memory_space<hbm>> -> memref<2x64xi32, #tpu.memory_space<hbm>>
        %dma_wait3A_185 = arith.constant 0 : i32
        %dma_wait3A_186 = arith.constant 0 : i32
        %dma_wait3A_187 = tpu.memref_slice %arg3[%arg0, %arg1, %add3A_180, %dma_wait3A_185, %dma_wait3A_186] : memref<2x16x160x2x64xi32, #tpu.memory_space<hbm>> -> memref<1x1x1x2x64xi32, #tpu.memory_space<hbm>>
        %dma_wait3A_188 = tpu.memref_squeeze %dma_wait3A_187 : memref<1x1x1x2x64xi32, #tpu.memory_space<hbm>> -> memref<2x64xi32, #tpu.memory_space<hbm>>
        tpu.wait_dma2 semaphore(%arg18 : memref<!tpu.dma_semaphore, #tpu.memory_space<semaphore_mem>>) src(%dma_wait3A_188 : memref<2x64xi32, #tpu.memory_space<hbm>>) dst(%arg10 : memref<2x64xi32, #tpu.memory_space<vmem>>)
        %dma_start3A_189 = arith.constant 0 : i32
        %dma_start3A_190 = arith.constant 0 : i32
        %dma_start3A_191 = arith.constant 0 : i32
        %dma_start3A_192 = tpu.memref_slice %arg12[%dma_start3A_190, %dma_start3A_191] : memref<64x128xf32, #tpu.memory_space<vmem>> -> memref<64x128xf32, #tpu.memory_space<vmem>>
        %dma_start3A_193 = arith.constant 0 : i32
        %dma_start3A_194 = tpu.memref_slice %arg10[%dma_start3A_189, %dma_start3A_193] : memref<2x64xi32, #tpu.memory_space<vmem>> -> memref<1x64xi32, #tpu.memory_space<vmem>>
        %dma_start3A_195 = tpu.memref_squeeze %dma_start3A_194 : memref<1x64xi32, #tpu.memory_space<vmem>> -> memref<64xi32, #tpu.memory_space<vmem>>
        %dma_start3A_196 = arith.constant 0 : i32
        %dma_start3A_197 = arith.constant 0 : i32
        %dma_start3A_198 = tpu.memref_slice %arg2[%dma_start3A_196, %dma_start3A_197] : memref<10000x128xf32, #tpu.memory_space<hbm>> -> memref<10000x128xf32, #tpu.memory_space<hbm>>
        tpu.enqueue_indirect_dma source(%dma_start3A_198 : memref<10000x128xf32, #tpu.memory_space<hbm>>) target(%dma_start3A_192 : memref<64x128xf32, #tpu.memory_space<vmem>>) offsets(%dma_start3A_195 : memref<64xi32, #tpu.memory_space<vmem>>) semaphore(%arg14 : memref<!tpu.dma_semaphore, #tpu.memory_space<semaphore_mem>>)
      } else {
      }
      %add3A_123 = arith.constant 3 : i32
      %add3A_124 = arith.addi %add3A_110, %add3A_123 : i32
      %lt3A_125 = arith.constant 160 : i32
      %lt3A_126 = arith.cmpi slt, %add3A_124, %lt3A_125 : i32
      %convert_element_type3A_127 = arith.extui %lt3A_126 : i1 to i32
      %cond3A_128 = arith.constant 0 : i32
      %cond3A_129 = arith.cmpi ne, %convert_element_type3A_127, %cond3A_128 : i32
      scf.if %cond3A_129 {
        %add3A_179 = arith.constant 3 : i32
        %add3A_180 = arith.addi %add3A_110, %add3A_179 : i32
        %dma_start3A_181 = arith.constant 0 : i32
        %dma_start3A_182 = arith.constant 0 : i32
        %dma_start3A_183 = tpu.memref_slice %arg3[%arg0, %arg1, %add3A_180, %dma_start3A_181, %dma_start3A_182] : memref<2x16x160x2x64xi32, #tpu.memory_space<hbm>> -> memref<1x1x1x2x64xi32, #tpu.memory_space<hbm>>
        %dma_start3A_184 = tpu.memref_squeeze %dma_start3A_183 : memref<1x1x1x2x64xi32, #tpu.memory_space<hbm>> -> memref<2x64xi32, #tpu.memory_space<hbm>>
        %dma_start3A_185 = arith.constant 0 : i32
        %dma_start3A_186 = arith.constant 0 : i32
        %dma_start3A_187 = tpu.memref_slice %arg3[%arg0, %arg1, %add3A_180, %dma_start3A_185, %dma_start3A_186] : memref<2x16x160x2x64xi32, #tpu.memory_space<hbm>> -> memref<1x1x1x2x64xi32, #tpu.memory_space<hbm>>
        %dma_start3A_188 = tpu.memref_squeeze %dma_start3A_187 : memref<1x1x1x2x64xi32, #tpu.memory_space<hbm>> -> memref<2x64xi32, #tpu.memory_space<hbm>>
        tpu.enqueue_dma source(%dma_start3A_188 : memref<2x64xi32, #tpu.memory_space<hbm>>) target(%arg8 : memref<2x64xi32, #tpu.memory_space<vmem>>) target_semaphore(%arg16 : memref<!tpu.dma_semaphore, #tpu.memory_space<semaphore_mem>>)
      } else {
      }
      %dma_wait3A_130 = arith.constant 0 : i32
      %dma_wait3A_131 = arith.constant 0 : i32
      %dma_wait3A_132 = tpu.memref_slice %arg9[%dma_wait3A_130, %dma_wait3A_131] : memref<2x64xi32, #tpu.memory_space<vmem>> -> memref<1x64xi32, #tpu.memory_space<vmem>>
      %dma_wait3A_133 = tpu.memref_squeeze %dma_wait3A_132 : memref<1x64xi32, #tpu.memory_space<vmem>> -> memref<64xi32, #tpu.memory_space<vmem>>
      %dma_wait3A_134 = arith.constant 0 : i32
      %dma_wait3A_135 = arith.constant 0 : i32
      %dma_wait3A_136 = tpu.memref_slice %arg2[%dma_wait3A_134, %dma_wait3A_135] : memref<10000x128xf32, #tpu.memory_space<hbm>> -> memref<10000x128xf32, #tpu.memory_space<hbm>>
      tpu.wait_indirect_dma semaphore(%arg13 : memref<!tpu.dma_semaphore, #tpu.memory_space<semaphore_mem>>) src(%dma_wait3A_136 : memref<10000x128xf32, #tpu.memory_space<hbm>>) dst(%arg11 : memref<64x128xf32, #tpu.memory_space<vmem>>)
      %dma_start3A_137 = arith.constant 1 : i32
      %dma_start3A_138 = arith.constant 0 : i32
      %dma_start3A_139 = tpu.memref_slice %arg9[%dma_start3A_137, %dma_start3A_138] : memref<2x64xi32, #tpu.memory_space<vmem>> -> memref<1x64xi32, #tpu.memory_space<vmem>>
      %dma_start3A_140 = tpu.memref_squeeze %dma_start3A_139 : memref<1x64xi32, #tpu.memory_space<vmem>> -> memref<64xi32, #tpu.memory_space<vmem>>
      %dma_start3A_141 = arith.constant 0 : i32
      %dma_start3A_142 = arith.constant 0 : i32
      %dma_start3A_143 = tpu.memref_slice %arg6[%dma_start3A_141, %dma_start3A_142] : memref<10112x128xf32, #tpu.memory_space<vmem_shared>> -> memref<10112x128xf32, #tpu.memory_space<vmem_shared>>
      tpu.enqueue_indirect_dma source(%arg11 : memref<64x128xf32, #tpu.memory_space<vmem>>) target(%dma_start3A_143 : memref<10112x128xf32, #tpu.memory_space<vmem_shared>>) offsets(%dma_start3A_140 : memref<64xi32, #tpu.memory_space<vmem>>) semaphore(%arg19 : memref<!tpu.dma_semaphore, #tpu.memory_space<semaphore_mem>>) {add = true}
      %add3A_144 = arith.constant 3 : i32
      %add3A_145 = arith.addi %add3A_42, %add3A_144 : i32
      %gt3A_146 = arith.constant 0 : i32
      %gt3A_147 = arith.cmpi sgt, %add3A_145, %gt3A_146 : i32
      %convert_element_type3A_148 = arith.extui %gt3A_147 : i1 to i32
      %cond3A_149 = arith.constant 0 : i32
      %cond3A_150 = arith.cmpi ne, %convert_element_type3A_148, %cond3A_149 : i32
      scf.if %cond3A_150 {
        %dma_wait3A_179 = arith.constant 1 : i32
        %dma_wait3A_180 = arith.constant 0 : i32
        %dma_wait3A_181 = tpu.memref_slice %arg9[%dma_wait3A_179, %dma_wait3A_180] : memref<2x64xi32, #tpu.memory_space<vmem>> -> memref<1x64xi32, #tpu.memory_space<vmem>>
        %dma_wait3A_182 = tpu.memref_squeeze %dma_wait3A_181 : memref<1x64xi32, #tpu.memory_space<vmem>> -> memref<64xi32, #tpu.memory_space<vmem>>
        %dma_wait3A_183 = arith.constant 0 : i32
        %dma_wait3A_184 = arith.constant 0 : i32
        %dma_wait3A_185 = tpu.memref_slice %arg6[%dma_wait3A_183, %dma_wait3A_184] : memref<10112x128xf32, #tpu.memory_space<vmem_shared>> -> memref<10112x128xf32, #tpu.memory_space<vmem_shared>>
        tpu.wait_indirect_dma semaphore(%arg19 : memref<!tpu.dma_semaphore, #tpu.memory_space<semaphore_mem>>) src(%arg11 : memref<64x128xf32, #tpu.memory_space<vmem>>) dst(%dma_wait3A_185 : memref<10112x128xf32, #tpu.memory_space<vmem_shared>>)
      } else {
      }
      %add3A_151 = arith.constant 1 : i32
      %add3A_152 = arith.addi %add3A_145, %add3A_151 : i32
      %lt3A_153 = arith.constant 160 : i32
      %lt3A_154 = arith.cmpi slt, %add3A_152, %lt3A_153 : i32
      %convert_element_type3A_155 = arith.extui %lt3A_154 : i1 to i32
      %cond3A_156 = arith.constant 0 : i32
      %cond3A_157 = arith.cmpi ne, %convert_element_type3A_155, %cond3A_156 : i32
      scf.if %cond3A_157 {
        %add3A_179 = arith.constant 1 : i32
        %add3A_180 = arith.addi %add3A_145, %add3A_179 : i32
        %dma_wait3A_181 = arith.constant 0 : i32
        %dma_wait3A_182 = arith.constant 0 : i32
        %dma_wait3A_183 = tpu.memref_slice %arg3[%arg0, %arg1, %add3A_180, %dma_wait3A_181, %dma_wait3A_182] : memref<2x16x160x2x64xi32, #tpu.memory_space<hbm>> -> memref<1x1x1x2x64xi32, #tpu.memory_space<hbm>>
        %dma_wait3A_184 = tpu.memref_squeeze %dma_wait3A_183 : memref<1x1x1x2x64xi32, #tpu.memory_space<hbm>> -> memref<2x64xi32, #tpu.memory_space<hbm>>
        %dma_wait3A_185 = arith.constant 0 : i32
        %dma_wait3A_186 = arith.constant 0 : i32
        %dma_wait3A_187 = tpu.memref_slice %arg3[%arg0, %arg1, %add3A_180, %dma_wait3A_185, %dma_wait3A_186] : memref<2x16x160x2x64xi32, #tpu.memory_space<hbm>> -> memref<1x1x1x2x64xi32, #tpu.memory_space<hbm>>
        %dma_wait3A_188 = tpu.memref_squeeze %dma_wait3A_187 : memref<1x1x1x2x64xi32, #tpu.memory_space<hbm>> -> memref<2x64xi32, #tpu.memory_space<hbm>>
        tpu.wait_dma2 semaphore(%arg15 : memref<!tpu.dma_semaphore, #tpu.memory_space<semaphore_mem>>) src(%dma_wait3A_188 : memref<2x64xi32, #tpu.memory_space<hbm>>) dst(%arg7 : memref<2x64xi32, #tpu.memory_space<vmem>>)
        %dma_start3A_189 = arith.constant 0 : i32
        %dma_start3A_190 = arith.constant 0 : i32
        %dma_start3A_191 = arith.constant 0 : i32
        %dma_start3A_192 = tpu.memref_slice %arg11[%dma_start3A_190, %dma_start3A_191] : memref<64x128xf32, #tpu.memory_space<vmem>> -> memref<64x128xf32, #tpu.memory_space<vmem>>
        %dma_start3A_193 = arith.constant 0 : i32
        %dma_start3A_194 = tpu.memref_slice %arg7[%dma_start3A_189, %dma_start3A_193] : memref<2x64xi32, #tpu.memory_space<vmem>> -> memref<1x64xi32, #tpu.memory_space<vmem>>
        %dma_start3A_195 = tpu.memref_squeeze %dma_start3A_194 : memref<1x64xi32, #tpu.memory_space<vmem>> -> memref<64xi32, #tpu.memory_space<vmem>>
        %dma_start3A_196 = arith.constant 0 : i32
        %dma_start3A_197 = arith.constant 0 : i32
        %dma_start3A_198 = tpu.memref_slice %arg2[%dma_start3A_196, %dma_start3A_197] : memref<10000x128xf32, #tpu.memory_space<hbm>> -> memref<10000x128xf32, #tpu.memory_space<hbm>>
        tpu.enqueue_indirect_dma source(%dma_start3A_198 : memref<10000x128xf32, #tpu.memory_space<hbm>>) target(%dma_start3A_192 : memref<64x128xf32, #tpu.memory_space<vmem>>) offsets(%dma_start3A_195 : memref<64xi32, #tpu.memory_space<vmem>>) semaphore(%arg13 : memref<!tpu.dma_semaphore, #tpu.memory_space<semaphore_mem>>)
      } else {
      }
      %add3A_158 = arith.constant 3 : i32
      %add3A_159 = arith.addi %add3A_145, %add3A_158 : i32
      %lt3A_160 = arith.constant 160 : i32
      %lt3A_161 = arith.cmpi slt, %add3A_159, %lt3A_160 : i32
      %convert_element_type3A_162 = arith.extui %lt3A_161 : i1 to i32
      %cond3A_163 = arith.constant 0 : i32
      %cond3A_164 = arith.cmpi ne, %convert_element_type3A_162, %cond3A_163 : i32
      scf.if %cond3A_164 {
        %add3A_179 = arith.constant 3 : i32
        %add3A_180 = arith.addi %add3A_145, %add3A_179 : i32
        %dma_start3A_181 = arith.constant 0 : i32
        %dma_start3A_182 = arith.constant 0 : i32
        %dma_start3A_183 = tpu.memref_slice %arg3[%arg0, %arg1, %add3A_180, %dma_start3A_181, %dma_start3A_182] : memref<2x16x160x2x64xi32, #tpu.memory_space<hbm>> -> memref<1x1x1x2x64xi32, #tpu.memory_space<hbm>>
        %dma_start3A_184 = tpu.memref_squeeze %dma_start3A_183 : memref<1x1x1x2x64xi32, #tpu.memory_space<hbm>> -> memref<2x64xi32, #tpu.memory_space<hbm>>
        %dma_start3A_185 = arith.constant 0 : i32
        %dma_start3A_186 = arith.constant 0 : i32
        %dma_start3A_187 = tpu.memref_slice %arg3[%arg0, %arg1, %add3A_180, %dma_start3A_185, %dma_start3A_186] : memref<2x16x160x2x64xi32, #tpu.memory_space<hbm>> -> memref<1x1x1x2x64xi32, #tpu.memory_space<hbm>>
        %dma_start3A_188 = tpu.memref_squeeze %dma_start3A_187 : memref<1x1x1x2x64xi32, #tpu.memory_space<hbm>> -> memref<2x64xi32, #tpu.memory_space<hbm>>
        tpu.enqueue_dma source(%dma_start3A_188 : memref<2x64xi32, #tpu.memory_space<hbm>>) target(%arg9 : memref<2x64xi32, #tpu.memory_space<vmem>>) target_semaphore(%arg17 : memref<!tpu.dma_semaphore, #tpu.memory_space<semaphore_mem>>)
      } else {
      }
      %dma_wait3A_165 = arith.constant 0 : i32
      %dma_wait3A_166 = arith.constant 0 : i32
      %dma_wait3A_167 = tpu.memref_slice %arg10[%dma_wait3A_165, %dma_wait3A_166] : memref<2x64xi32, #tpu.memory_space<vmem>> -> memref<1x64xi32, #tpu.memory_space<vmem>>
      %dma_wait3A_168 = tpu.memref_squeeze %dma_wait3A_167 : memref<1x64xi32, #tpu.memory_space<vmem>> -> memref<64xi32, #tpu.memory_space<vmem>>
      %dma_wait3A_169 = arith.constant 0 : i32
      %dma_wait3A_170 = arith.constant 0 : i32
      %dma_wait3A_171 = tpu.memref_slice %arg2[%dma_wait3A_169, %dma_wait3A_170] : memref<10000x128xf32, #tpu.memory_space<hbm>> -> memref<10000x128xf32, #tpu.memory_space<hbm>>
      tpu.wait_indirect_dma semaphore(%arg14 : memref<!tpu.dma_semaphore, #tpu.memory_space<semaphore_mem>>) src(%dma_wait3A_171 : memref<10000x128xf32, #tpu.memory_space<hbm>>) dst(%arg12 : memref<64x128xf32, #tpu.memory_space<vmem>>)
      %dma_start3A_172 = arith.constant 1 : i32
      %dma_start3A_173 = arith.constant 0 : i32
      %dma_start3A_174 = tpu.memref_slice %arg10[%dma_start3A_172, %dma_start3A_173] : memref<2x64xi32, #tpu.memory_space<vmem>> -> memref<1x64xi32, #tpu.memory_space<vmem>>
      %dma_start3A_175 = tpu.memref_squeeze %dma_start3A_174 : memref<1x64xi32, #tpu.memory_space<vmem>> -> memref<64xi32, #tpu.memory_space<vmem>>
      %dma_start3A_176 = arith.constant 0 : i32
      %dma_start3A_177 = arith.constant 0 : i32
      %dma_start3A_178 = tpu.memref_slice %arg6[%dma_start3A_176, %dma_start3A_177] : memref<10112x128xf32, #tpu.memory_space<vmem_shared>> -> memref<10112x128xf32, #tpu.memory_space<vmem_shared>>
      tpu.enqueue_indirect_dma source(%arg12 : memref<64x128xf32, #tpu.memory_space<vmem>>) target(%dma_start3A_178 : memref<10112x128xf32, #tpu.memory_space<vmem_shared>>) offsets(%dma_start3A_175 : memref<64xi32, #tpu.memory_space<vmem>>) semaphore(%arg20 : memref<!tpu.dma_semaphore, #tpu.memory_space<semaphore_mem>>) {add = true}
    }
    %scan3A_31 = arith.constant 40 : i32
    %dma_wait3A = arith.constant 1 : i32
    %dma_wait3A_32 = arith.constant 0 : i32
    %dma_wait3A_33 = tpu.memref_slice %arg10[%dma_wait3A, %dma_wait3A_32] : memref<2x64xi32, #tpu.memory_space<vmem>> -> memref<1x64xi32, #tpu.memory_space<vmem>>
    %dma_wait3A_34 = tpu.memref_squeeze %dma_wait3A_33 : memref<1x64xi32, #tpu.memory_space<vmem>> -> memref<64xi32, #tpu.memory_space<vmem>>
    %dma_wait3A_35 = arith.constant 0 : i32
    %dma_wait3A_36 = arith.constant 0 : i32
    %dma_wait3A_37 = tpu.memref_slice %arg6[%dma_wait3A_35, %dma_wait3A_36] : memref<10112x128xf32, #tpu.memory_space<vmem_shared>> -> memref<10112x128xf32, #tpu.memory_space<vmem_shared>>
    tpu.wait_indirect_dma semaphore(%arg20 : memref<!tpu.dma_semaphore, #tpu.memory_space<semaphore_mem>>) src(%arg12 : memref<64x128xf32, #tpu.memory_space<vmem>>) dst(%dma_wait3A_37 : memref<10112x128xf32, #tpu.memory_space<vmem_shared>>)
    %barrier3A_38 = arith.constant 0 : index
    tpu.barrier barrier_id(%barrier3A_38)
    "tpu.region"() ({
      %run_scoped3A_39 = tpu.sem_alloc : memref<!tpu.dma_semaphore, #tpu.memory_space<semaphore_mem>>
      %dma_start3A_40 = arith.constant 0 : i32
      %dma_start3A_41 = tpu.memref_slice %arg5[%arg0, %mul3A_0, %dma_start3A_40] : memref<2x10112x128xf32, #tpu.memory_space<hbm>> -> memref<1x632x128xf32, #tpu.memory_space<hbm>>
      %dma_start3A_42 = tpu.memref_squeeze %dma_start3A_41 : memref<1x632x128xf32, #tpu.memory_space<hbm>> -> memref<632x128xf32, #tpu.memory_space<hbm>>
      %dma_start3A_43 = arith.constant 0 : i32
      %dma_start3A_44 = tpu.memref_slice %arg6[%mul3A_0, %dma_start3A_43] : memref<10112x128xf32, #tpu.memory_space<vmem_shared>> -> memref<632x128xf32, #tpu.memory_space<vmem_shared>>
      tpu.enqueue_dma source(%dma_start3A_44 : memref<632x128xf32, #tpu.memory_space<vmem_shared>>) target(%dma_start3A_42 : memref<632x128xf32, #tpu.memory_space<hbm>>) target_semaphore(%run_scoped3A_39 : memref<!tpu.dma_semaphore, #tpu.memory_space<semaphore_mem>>)
      %dma_wait3A_45 = arith.constant 0 : i32
      %dma_wait3A_46 = tpu.memref_slice %arg5[%arg0, %mul3A_0, %dma_wait3A_45] : memref<2x10112x128xf32, #tpu.memory_space<hbm>> -> memref<1x632x128xf32, #tpu.memory_space<hbm>>
      %dma_wait3A_47 = tpu.memref_squeeze %dma_wait3A_46 : memref<1x632x128xf32, #tpu.memory_space<hbm>> -> memref<632x128xf32, #tpu.memory_space<hbm>>
      %dma_wait3A_48 = arith.constant 0 : i32
      %dma_wait3A_49 = tpu.memref_slice %arg6[%mul3A_0, %dma_wait3A_48] : memref<10112x128xf32, #tpu.memory_space<vmem_shared>> -> memref<632x128xf32, #tpu.memory_space<vmem_shared>>
      tpu.wait_dma2 semaphore(%run_scoped3A_39 : memref<!tpu.dma_semaphore, #tpu.memory_space<semaphore_mem>>) src(%dma_wait3A_49 : memref<632x128xf32, #tpu.memory_space<vmem_shared>>) dst(%dma_wait3A_47 : memref<632x128xf32, #tpu.memory_space<hbm>>)
      tpu.yield
    }) : () -> ()
    return
  }
}

#map = affine_map<(d0, d1) -> (0, 0)>
#map1 = affine_map<(d0, d1) -> (0, 0, 0, 0, 0)>
#map2 = affine_map<(d0, d1) -> (0, 0, 0)>
module attributes {stable_mosaic.version = 14 : i64} {
  func.func @_sc_hop(%arg0: i32, %arg1: i32, %arg2: memref<10000x128xf32, #tpu.memory_space<hbm>>, %arg3: memref<2x16x160x2x64xi32, #tpu.memory_space<hbm>>, %arg4: memref<10112x128xf32, #tpu.memory_space<hbm>>, %arg5: memref<2x10112x128xf32, #tpu.memory_space<hbm>>, %arg6: memref<10112x128xf32, #tpu.memory_space<vmem_shared>>, %arg7: memref<2x64xi32, #tpu.memory_space<vmem>>, %arg8: memref<2x64xi32, #tpu.memory_space<vmem>>, %arg9: memref<2x64xi32, #tpu.memory_space<vmem>>, %arg10: memref<2x64xi32, #tpu.memory_space<vmem>>, %arg11: memref<64x128xf32, #tpu.memory_space<vmem>>, %arg12: memref<64x128xf32, #tpu.memory_space<vmem>>, %arg13: memref<!tpu.dma_semaphore, #tpu.memory_space<semaphore_mem>>, %arg14: memref<!tpu.dma_semaphore, #tpu.memory_space<semaphore_mem>>, %arg15: memref<!tpu.dma_semaphore, #tpu.memory_space<semaphore_mem>>, %arg16: memref<!tpu.dma_semaphore, #tpu.memory_space<semaphore_mem>>, %arg17: memref<!tpu.dma_semaphore, #tpu.memory_space<semaphore_mem>>, %arg18: memref<!tpu.dma_semaphore, #tpu.memory_space<semaphore_mem>>, %arg19: memref<!tpu.dma_semaphore, #tpu.memory_space<semaphore_mem>>, %arg20: memref<!tpu.dma_semaphore, #tpu.memory_space<semaphore_mem>>) attributes {dimension_semantics = [#tpu.dimension_semantics<core_parallel>, #tpu.dimension_semantics<subcore_parallel>], iteration_bounds = array<i64: 2, 16>, scalar_prefetch = 0 : i64, scratch_operands = 15 : i64, tpu.core_type = #tpu.core_type<sc_vector_subcore>, window_params = [{transform_indices = #map}, {transform_indices = #map1}, {transform_indices = #map}, {transform_indices = #map2}]} {
    %mul3A = arith.constant 632 : i32
    %mul3A_0 = arith.muli %arg1, %mul3A : i32
    "tpu.region"() ({
      %run_scoped3A_39 = tpu.sem_alloc : memref<!tpu.dma_semaphore, #tpu.memory_space<semaphore_mem>>
      %dma_start3A_40 = arith.constant 0 : i32
      %dma_start3A_41 = tpu.memref_slice %arg6[%mul3A_0, %dma_start3A_40] : memref<10112x128xf32, #tpu.memory_space<vmem_shared>> -> memref<632x128xf32, #tpu.memory_space<vmem_shared>>
      %dma_start3A_42 = arith.constant 0 : i32
      %dma_start3A_43 = tpu.memref_slice %arg4[%mul3A_0, %dma_start3A_42] : memref<10112x128xf32, #tpu.memory_space<hbm>> -> memref<632x128xf32, #tpu.memory_space<hbm>>
      tpu.enqueue_dma source(%dma_start3A_43 : memref<632x128xf32, #tpu.memory_space<hbm>>) target(%dma_start3A_41 : memref<632x128xf32, #tpu.memory_space<vmem_shared>>) target_semaphore(%run_scoped3A_39 : memref<!tpu.dma_semaphore, #tpu.memory_space<semaphore_mem>>)
      %dma_wait3A_44 = arith.constant 0 : i32
      %dma_wait3A_45 = tpu.memref_slice %arg6[%mul3A_0, %dma_wait3A_44] : memref<10112x128xf32, #tpu.memory_space<vmem_shared>> -> memref<632x128xf32, #tpu.memory_space<vmem_shared>>
      %dma_wait3A_46 = arith.constant 0 : i32
      %dma_wait3A_47 = tpu.memref_slice %arg4[%mul3A_0, %dma_wait3A_46] : memref<10112x128xf32, #tpu.memory_space<hbm>> -> memref<632x128xf32, #tpu.memory_space<hbm>>
      tpu.wait_dma2 semaphore(%run_scoped3A_39 : memref<!tpu.dma_semaphore, #tpu.memory_space<semaphore_mem>>) src(%dma_wait3A_47 : memref<632x128xf32, #tpu.memory_space<hbm>>) dst(%dma_wait3A_45 : memref<632x128xf32, #tpu.memory_space<vmem_shared>>)
      tpu.yield
    }) : () -> ()
    %run_scoped3A = arith.constant 0 : i32
    "tpu.region"() ({
      %run_scoped3A_39 = tpu.sem_alloc : memref<!tpu.dma_semaphore, #tpu.memory_space<semaphore_mem>>
      %dma_start3A_40 = arith.constant 0 : i32
      %dma_start3A_41 = arith.constant 0 : i32
      %dma_start3A_42 = tpu.memref_slice %arg3[%arg0, %arg1, %run_scoped3A, %dma_start3A_40, %dma_start3A_41] : memref<2x16x160x2x64xi32, #tpu.memory_space<hbm>> -> memref<1x1x1x2x64xi32, #tpu.memory_space<hbm>>
      %dma_start3A_43 = tpu.memref_squeeze %dma_start3A_42 : memref<1x1x1x2x64xi32, #tpu.memory_space<hbm>> -> memref<2x64xi32, #tpu.memory_space<hbm>>
      %dma_start3A_44 = arith.constant 0 : i32
      %dma_start3A_45 = arith.constant 0 : i32
      %dma_start3A_46 = tpu.memref_slice %arg3[%arg0, %arg1, %run_scoped3A, %dma_start3A_44, %dma_start3A_45] : memref<2x16x160x2x64xi32, #tpu.memory_space<hbm>> -> memref<1x1x1x2x64xi32, #tpu.memory_space<hbm>>
      %dma_start3A_47 = tpu.memref_squeeze %dma_start3A_46 : memref<1x1x1x2x64xi32, #tpu.memory_space<hbm>> -> memref<2x64xi32, #tpu.memory_space<hbm>>
      tpu.enqueue_dma source(%dma_start3A_47 : memref<2x64xi32, #tpu.memory_space<hbm>>) target(%arg7 : memref<2x64xi32, #tpu.memory_space<vmem>>) target_semaphore(%run_scoped3A_39 : memref<!tpu.dma_semaphore, #tpu.memory_space<semaphore_mem>>)
      %dma_wait3A_48 = arith.constant 0 : i32
      %dma_wait3A_49 = arith.constant 0 : i32
      %dma_wait3A_50 = tpu.memref_slice %arg3[%arg0, %arg1, %run_scoped3A, %dma_wait3A_48, %dma_wait3A_49] : memref<2x16x160x2x64xi32, #tpu.memory_space<hbm>> -> memref<1x1x1x2x64xi32, #tpu.memory_space<hbm>>
      %dma_wait3A_51 = tpu.memref_squeeze %dma_wait3A_50 : memref<1x1x1x2x64xi32, #tpu.memory_space<hbm>> -> memref<2x64xi32, #tpu.memory_space<hbm>>
      %dma_wait3A_52 = arith.constant 0 : i32
      %dma_wait3A_53 = arith.constant 0 : i32
      %dma_wait3A_54 = tpu.memref_slice %arg3[%arg0, %arg1, %run_scoped3A, %dma_wait3A_52, %dma_wait3A_53] : memref<2x16x160x2x64xi32, #tpu.memory_space<hbm>> -> memref<1x1x1x2x64xi32, #tpu.memory_space<hbm>>
      %dma_wait3A_55 = tpu.memref_squeeze %dma_wait3A_54 : memref<1x1x1x2x64xi32, #tpu.memory_space<hbm>> -> memref<2x64xi32, #tpu.memory_space<hbm>>
      tpu.wait_dma2 semaphore(%run_scoped3A_39 : memref<!tpu.dma_semaphore, #tpu.memory_space<semaphore_mem>>) src(%dma_wait3A_55 : memref<2x64xi32, #tpu.memory_space<hbm>>) dst(%arg7 : memref<2x64xi32, #tpu.memory_space<vmem>>)
      tpu.yield
    }) : () -> ()
    %dma_start3A = arith.constant 1 : i32
    %dma_start3A_1 = arith.constant 0 : i32
    %dma_start3A_2 = arith.constant 0 : i32
    %dma_start3A_3 = tpu.memref_slice %arg3[%arg0, %arg1, %dma_start3A, %dma_start3A_1, %dma_start3A_2] : memref<2x16x160x2x64xi32, #tpu.memory_space<hbm>> -> memref<1x1x1x2x64xi32, #tpu.memory_space<hbm>>
    %dma_start3A_4 = tpu.memref_squeeze %dma_start3A_3 : memref<1x1x1x2x64xi32, #tpu.memory_space<hbm>> -> memref<2x64xi32, #tpu.memory_space<hbm>>
    %dma_start3A_5 = arith.constant 0 : i32
    %dma_start3A_6 = arith.constant 0 : i32
    %dma_start3A_7 = tpu.memref_slice %arg3[%arg0, %arg1, %dma_start3A, %dma_start3A_5, %dma_start3A_6] : memref<2x16x160x2x64xi32, #tpu.memory_space<hbm>> -> memref<1x1x1x2x64xi32, #tpu.memory_space<hbm>>
    %dma_start3A_8 = tpu.memref_squeeze %dma_start3A_7 : memref<1x1x1x2x64xi32, #tpu.memory_space<hbm>> -> memref<2x64xi32, #tpu.memory_space<hbm>>
    tpu.enqueue_dma source(%dma_start3A_8 : memref<2x64xi32, #tpu.memory_space<hbm>>) target(%arg8 : memref<2x64xi32, #tpu.memory_space<vmem>>) target_semaphore(%arg16 : memref<!tpu.dma_semaphore, #tpu.memory_space<semaphore_mem>>)
    %dma_start3A_9 = arith.constant 2 : i32
    %dma_start3A_10 = arith.constant 0 : i32
    %dma_start3A_11 = arith.constant 0 : i32
    %dma_start3A_12 = tpu.memref_slice %arg3[%arg0, %arg1, %dma_start3A_9, %dma_start3A_10, %dma_start3A_11] : memref<2x16x160x2x64xi32, #tpu.memory_space<hbm>> -> memref<1x1x1x2x64xi32, #tpu.memory_space<hbm>>
    %dma_start3A_13 = tpu.memref_squeeze %dma_start3A_12 : memref<1x1x1x2x64xi32, #tpu.memory_space<hbm>> -> memref<2x64xi32, #tpu.memory_space<hbm>>
    %dma_start3A_14 = arith.constant 0 : i32
    %dma_start3A_15 = arith.constant 0 : i32
    %dma_start3A_16 = tpu.memref_slice %arg3[%arg0, %arg1, %dma_start3A_9, %dma_start3A_14, %dma_start3A_15] : memref<2x16x160x2x64xi32, #tpu.memory_space<hbm>> -> memref<1x1x1x2x64xi32, #tpu.memory_space<hbm>>
    %dma_start3A_17 = tpu.memref_squeeze %dma_start3A_16 : memref<1x1x1x2x64xi32, #tpu.memory_space<hbm>> -> memref<2x64xi32, #tpu.memory_space<hbm>>
    tpu.enqueue_dma source(%dma_start3A_17 : memref<2x64xi32, #tpu.memory_space<hbm>>) target(%arg9 : memref<2x64xi32, #tpu.memory_space<vmem>>) target_semaphore(%arg17 : memref<!tpu.dma_semaphore, #tpu.memory_space<semaphore_mem>>)
    %barrier3A = arith.constant 0 : index
    tpu.barrier barrier_id(%barrier3A)
    %dma_start3A_18 = arith.constant 0 : i32
    %dma_start3A_19 = arith.constant 0 : i32
    %dma_start3A_20 = arith.constant 0 : i32
    %dma_start3A_21 = tpu.memref_slice %arg11[%dma_start3A_19, %dma_start3A_20] : memref<64x128xf32, #tpu.memory_space<vmem>> -> memref<64x128xf32, #tpu.memory_space<vmem>>
    %dma_start3A_22 = arith.constant 0 : i32
    %dma_start3A_23 = tpu.memref_slice %arg7[%dma_start3A_18, %dma_start3A_22] : memref<2x64xi32, #tpu.memory_space<vmem>> -> memref<1x64xi32, #tpu.memory_space<vmem>>
    %dma_start3A_24 = tpu.memref_squeeze %dma_start3A_23 : memref<1x64xi32, #tpu.memory_space<vmem>> -> memref<64xi32, #tpu.memory_space<vmem>>
    %dma_start3A_25 = arith.constant 0 : i32
    %dma_start3A_26 = arith.constant 0 : i32
    %dma_start3A_27 = tpu.memref_slice %arg2[%dma_start3A_25, %dma_start3A_26] : memref<10000x128xf32, #tpu.memory_space<hbm>> -> memref<10000x128xf32, #tpu.memory_space<hbm>>
    tpu.enqueue_indirect_dma source(%dma_start3A_27 : memref<10000x128xf32, #tpu.memory_space<hbm>>) target(%dma_start3A_21 : memref<64x128xf32, #tpu.memory_space<vmem>>) offsets(%dma_start3A_24 : memref<64xi32, #tpu.memory_space<vmem>>) semaphore(%arg13 : memref<!tpu.dma_semaphore, #tpu.memory_space<semaphore_mem>>)
    %scan3A = arith.constant 0 : i32
    %scan3A_28 = arith.constant 40 : i32
    %scan3A_29 = arith.addi %scan3A, %scan3A_28 : i32
    %scan3A_30 = arith.constant 1 : i32
    scf.for %scan3A_39 = %scan3A to %scan3A_29 step %scan3A_30  : i32 {
      %mul3A_40 = arith.constant 4 : i32
      %mul3A_41 = arith.muli %scan3A_39, %mul3A_40 : i32
      %add3A = arith.constant 0 : i32
      %add3A_42 = arith.addi %add3A, %mul3A_41 : i32
      %add3A_43 = arith.constant 0 : i32
      %add3A_44 = arith.addi %add3A_42, %add3A_43 : i32
      %gt3A = arith.constant 0 : i32
      %gt3A_45 = arith.cmpi sgt, %add3A_44, %gt3A : i32
      %convert_element_type3A = arith.extui %gt3A_45 : i1 to i32
      %cond3A = arith.constant 0 : i32
      %cond3A_46 = arith.cmpi ne, %convert_element_type3A, %cond3A : i32
      scf.if %cond3A_46 {
        %dma_wait3A_179 = arith.constant 1 : i32
        %dma_wait3A_180 = arith.constant 0 : i32
        %dma_wait3A_181 = tpu.memref_slice %arg10[%dma_wait3A_179, %dma_wait3A_180] : memref<2x64xi32, #tpu.memory_space<vmem>> -> memref<1x64xi32, #tpu.memory_space<vmem>>
        %dma_wait3A_182 = tpu.memref_squeeze %dma_wait3A_181 : memref<1x64xi32, #tpu.memory_space<vmem>> -> memref<64xi32, #tpu.memory_space<vmem>>
        %dma_wait3A_183 = arith.constant 0 : i32
        %dma_wait3A_184 = arith.constant 0 : i32
        %dma_wait3A_185 = tpu.memref_slice %arg6[%dma_wait3A_183, %dma_wait3A_184] : memref<10112x128xf32, #tpu.memory_space<vmem_shared>> -> memref<10112x128xf32, #tpu.memory_space<vmem_shared>>
        tpu.wait_indirect_dma semaphore(%arg20 : memref<!tpu.dma_semaphore, #tpu.memory_space<semaphore_mem>>) src(%arg12 : memref<64x128xf32, #tpu.memory_space<vmem>>) dst(%dma_wait3A_185 : memref<10112x128xf32, #tpu.memory_space<vmem_shared>>)
      } else {
      }
      %add3A_47 = arith.constant 1 : i32
      %add3A_48 = arith.addi %add3A_44, %add3A_47 : i32
      %lt3A = arith.constant 160 : i32
      %lt3A_49 = arith.cmpi slt, %add3A_48, %lt3A : i32
      %convert_element_type3A_50 = arith.extui %lt3A_49 : i1 to i32
      %cond3A_51 = arith.constant 0 : i32
      %cond3A_52 = arith.cmpi ne, %convert_element_type3A_50, %cond3A_51 : i32
      scf.if %cond3A_52 {
        %add3A_179 = arith.constant 1 : i32
        %add3A_180 = arith.addi %add3A_44, %add3A_179 : i32
        %dma_wait3A_181 = arith.constant 0 : i32
        %dma_wait3A_182 = arith.constant 0 : i32
        %dma_wait3A_183 = tpu.memref_slice %arg3[%arg0, %arg1, %add3A_180, %dma_wait3A_181, %dma_wait3A_182] : memref<2x16x160x2x64xi32, #tpu.memory_space<hbm>> -> memref<1x1x1x2x64xi32, #tpu.memory_space<hbm>>
        %dma_wait3A_184 = tpu.memref_squeeze %dma_wait3A_183 : memref<1x1x1x2x64xi32, #tpu.memory_space<hbm>> -> memref<2x64xi32, #tpu.memory_space<hbm>>
        %dma_wait3A_185 = arith.constant 0 : i32
        %dma_wait3A_186 = arith.constant 0 : i32
        %dma_wait3A_187 = tpu.memref_slice %arg3[%arg0, %arg1, %add3A_180, %dma_wait3A_185, %dma_wait3A_186] : memref<2x16x160x2x64xi32, #tpu.memory_space<hbm>> -> memref<1x1x1x2x64xi32, #tpu.memory_space<hbm>>
        %dma_wait3A_188 = tpu.memref_squeeze %dma_wait3A_187 : memref<1x1x1x2x64xi32, #tpu.memory_space<hbm>> -> memref<2x64xi32, #tpu.memory_space<hbm>>
        tpu.wait_dma2 semaphore(%arg16 : memref<!tpu.dma_semaphore, #tpu.memory_space<semaphore_mem>>) src(%dma_wait3A_188 : memref<2x64xi32, #tpu.memory_space<hbm>>) dst(%arg8 : memref<2x64xi32, #tpu.memory_space<vmem>>)
        %dma_start3A_189 = arith.constant 0 : i32
        %dma_start3A_190 = arith.constant 0 : i32
        %dma_start3A_191 = arith.constant 0 : i32
        %dma_start3A_192 = tpu.memref_slice %arg12[%dma_start3A_190, %dma_start3A_191] : memref<64x128xf32, #tpu.memory_space<vmem>> -> memref<64x128xf32, #tpu.memory_space<vmem>>
        %dma_start3A_193 = arith.constant 0 : i32
        %dma_start3A_194 = tpu.memref_slice %arg8[%dma_start3A_189, %dma_start3A_193] : memref<2x64xi32, #tpu.memory_space<vmem>> -> memref<1x64xi32, #tpu.memory_space<vmem>>
        %dma_start3A_195 = tpu.memref_squeeze %dma_start3A_194 : memref<1x64xi32, #tpu.memory_space<vmem>> -> memref<64xi32, #tpu.memory_space<vmem>>
        %dma_start3A_196 = arith.constant 0 : i32
        %dma_start3A_197 = arith.constant 0 : i32
        %dma_start3A_198 = tpu.memref_slice %arg2[%dma_start3A_196, %dma_start3A_197] : memref<10000x128xf32, #tpu.memory_space<hbm>> -> memref<10000x128xf32, #tpu.memory_space<hbm>>
        tpu.enqueue_indirect_dma source(%dma_start3A_198 : memref<10000x128xf32, #tpu.memory_space<hbm>>) target(%dma_start3A_192 : memref<64x128xf32, #tpu.memory_space<vmem>>) offsets(%dma_start3A_195 : memref<64xi32, #tpu.memory_space<vmem>>) semaphore(%arg14 : memref<!tpu.dma_semaphore, #tpu.memory_space<semaphore_mem>>)
      } else {
      }
      %add3A_53 = arith.constant 3 : i32
      %add3A_54 = arith.addi %add3A_44, %add3A_53 : i32
      %lt3A_55 = arith.constant 160 : i32
      %lt3A_56 = arith.cmpi slt, %add3A_54, %lt3A_55 : i32
      %convert_element_type3A_57 = arith.extui %lt3A_56 : i1 to i32
      %cond3A_58 = arith.constant 0 : i32
      %cond3A_59 = arith.cmpi ne, %convert_element_type3A_57, %cond3A_58 : i32
      scf.if %cond3A_59 {
        %add3A_179 = arith.constant 3 : i32
        %add3A_180 = arith.addi %add3A_44, %add3A_179 : i32
        %dma_start3A_181 = arith.constant 0 : i32
        %dma_start3A_182 = arith.constant 0 : i32
        %dma_start3A_183 = tpu.memref_slice %arg3[%arg0, %arg1, %add3A_180, %dma_start3A_181, %dma_start3A_182] : memref<2x16x160x2x64xi32, #tpu.memory_space<hbm>> -> memref<1x1x1x2x64xi32, #tpu.memory_space<hbm>>
        %dma_start3A_184 = tpu.memref_squeeze %dma_start3A_183 : memref<1x1x1x2x64xi32, #tpu.memory_space<hbm>> -> memref<2x64xi32, #tpu.memory_space<hbm>>
        %dma_start3A_185 = arith.constant 0 : i32
        %dma_start3A_186 = arith.constant 0 : i32
        %dma_start3A_187 = tpu.memref_slice %arg3[%arg0, %arg1, %add3A_180, %dma_start3A_185, %dma_start3A_186] : memref<2x16x160x2x64xi32, #tpu.memory_space<hbm>> -> memref<1x1x1x2x64xi32, #tpu.memory_space<hbm>>
        %dma_start3A_188 = tpu.memref_squeeze %dma_start3A_187 : memref<1x1x1x2x64xi32, #tpu.memory_space<hbm>> -> memref<2x64xi32, #tpu.memory_space<hbm>>
        tpu.enqueue_dma source(%dma_start3A_188 : memref<2x64xi32, #tpu.memory_space<hbm>>) target(%arg10 : memref<2x64xi32, #tpu.memory_space<vmem>>) target_semaphore(%arg18 : memref<!tpu.dma_semaphore, #tpu.memory_space<semaphore_mem>>)
      } else {
      }
      %dma_wait3A_60 = arith.constant 0 : i32
      %dma_wait3A_61 = arith.constant 0 : i32
      %dma_wait3A_62 = tpu.memref_slice %arg7[%dma_wait3A_60, %dma_wait3A_61] : memref<2x64xi32, #tpu.memory_space<vmem>> -> memref<1x64xi32, #tpu.memory_space<vmem>>
      %dma_wait3A_63 = tpu.memref_squeeze %dma_wait3A_62 : memref<1x64xi32, #tpu.memory_space<vmem>> -> memref<64xi32, #tpu.memory_space<vmem>>
      %dma_wait3A_64 = arith.constant 0 : i32
      %dma_wait3A_65 = arith.constant 0 : i32
      %dma_wait3A_66 = tpu.memref_slice %arg2[%dma_wait3A_64, %dma_wait3A_65] : memref<10000x128xf32, #tpu.memory_space<hbm>> -> memref<10000x128xf32, #tpu.memory_space<hbm>>
      tpu.wait_indirect_dma semaphore(%arg13 : memref<!tpu.dma_semaphore, #tpu.memory_space<semaphore_mem>>) src(%dma_wait3A_66 : memref<10000x128xf32, #tpu.memory_space<hbm>>) dst(%arg11 : memref<64x128xf32, #tpu.memory_space<vmem>>)
      %dma_start3A_67 = arith.constant 1 : i32
      %dma_start3A_68 = arith.constant 0 : i32
      %dma_start3A_69 = tpu.memref_slice %arg7[%dma_start3A_67, %dma_start3A_68] : memref<2x64xi32, #tpu.memory_space<vmem>> -> memref<1x64xi32, #tpu.memory_space<vmem>>
      %dma_start3A_70 = tpu.memref_squeeze %dma_start3A_69 : memref<1x64xi32, #tpu.memory_space<vmem>> -> memref<64xi32, #tpu.memory_space<vmem>>
      %dma_start3A_71 = arith.constant 0 : i32
      %dma_start3A_72 = arith.constant 0 : i32
      %dma_start3A_73 = tpu.memref_slice %arg6[%dma_start3A_71, %dma_start3A_72] : memref<10112x128xf32, #tpu.memory_space<vmem_shared>> -> memref<10112x128xf32, #tpu.memory_space<vmem_shared>>
      tpu.enqueue_indirect_dma source(%arg11 : memref<64x128xf32, #tpu.memory_space<vmem>>) target(%dma_start3A_73 : memref<10112x128xf32, #tpu.memory_space<vmem_shared>>) offsets(%dma_start3A_70 : memref<64xi32, #tpu.memory_space<vmem>>) semaphore(%arg19 : memref<!tpu.dma_semaphore, #tpu.memory_space<semaphore_mem>>) {add = true}
      %add3A_74 = arith.constant 1 : i32
      %add3A_75 = arith.addi %add3A_42, %add3A_74 : i32
      %gt3A_76 = arith.constant 0 : i32
      %gt3A_77 = arith.cmpi sgt, %add3A_75, %gt3A_76 : i32
      %convert_element_type3A_78 = arith.extui %gt3A_77 : i1 to i32
      %cond3A_79 = arith.constant 0 : i32
      %cond3A_80 = arith.cmpi ne, %convert_element_type3A_78, %cond3A_79 : i32
      scf.if %cond3A_80 {
        %dma_wait3A_179 = arith.constant 1 : i32
        %dma_wait3A_180 = arith.constant 0 : i32
        %dma_wait3A_181 = tpu.memref_slice %arg7[%dma_wait3A_179, %dma_wait3A_180] : memref<2x64xi32, #tpu.memory_space<vmem>> -> memref<1x64xi32, #tpu.memory_space<vmem>>
        %dma_wait3A_182 = tpu.memref_squeeze %dma_wait3A_181 : memref<1x64xi32, #tpu.memory_space<vmem>> -> memref<64xi32, #tpu.memory_space<vmem>>
        %dma_wait3A_183 = arith.constant 0 : i32
        %dma_wait3A_184 = arith.constant 0 : i32
        %dma_wait3A_185 = tpu.memref_slice %arg6[%dma_wait3A_183, %dma_wait3A_184] : memref<10112x128xf32, #tpu.memory_space<vmem_shared>> -> memref<10112x128xf32, #tpu.memory_space<vmem_shared>>
        tpu.wait_indirect_dma semaphore(%arg19 : memref<!tpu.dma_semaphore, #tpu.memory_space<semaphore_mem>>) src(%arg11 : memref<64x128xf32, #tpu.memory_space<vmem>>) dst(%dma_wait3A_185 : memref<10112x128xf32, #tpu.memory_space<vmem_shared>>)
      } else {
      }
      %add3A_81 = arith.constant 1 : i32
      %add3A_82 = arith.addi %add3A_75, %add3A_81 : i32
      %lt3A_83 = arith.constant 160 : i32
      %lt3A_84 = arith.cmpi slt, %add3A_82, %lt3A_83 : i32
      %convert_element_type3A_85 = arith.extui %lt3A_84 : i1 to i32
      %cond3A_86 = arith.constant 0 : i32
      %cond3A_87 = arith.cmpi ne, %convert_element_type3A_85, %cond3A_86 : i32
      scf.if %cond3A_87 {
        %add3A_179 = arith.constant 1 : i32
        %add3A_180 = arith.addi %add3A_75, %add3A_179 : i32
        %dma_wait3A_181 = arith.constant 0 : i32
        %dma_wait3A_182 = arith.constant 0 : i32
        %dma_wait3A_183 = tpu.memref_slice %arg3[%arg0, %arg1, %add3A_180, %dma_wait3A_181, %dma_wait3A_182] : memref<2x16x160x2x64xi32, #tpu.memory_space<hbm>> -> memref<1x1x1x2x64xi32, #tpu.memory_space<hbm>>
        %dma_wait3A_184 = tpu.memref_squeeze %dma_wait3A_183 : memref<1x1x1x2x64xi32, #tpu.memory_space<hbm>> -> memref<2x64xi32, #tpu.memory_space<hbm>>
        %dma_wait3A_185 = arith.constant 0 : i32
        %dma_wait3A_186 = arith.constant 0 : i32
        %dma_wait3A_187 = tpu.memref_slice %arg3[%arg0, %arg1, %add3A_180, %dma_wait3A_185, %dma_wait3A_186] : memref<2x16x160x2x64xi32, #tpu.memory_space<hbm>> -> memref<1x1x1x2x64xi32, #tpu.memory_space<hbm>>
        %dma_wait3A_188 = tpu.memref_squeeze %dma_wait3A_187 : memref<1x1x1x2x64xi32, #tpu.memory_space<hbm>> -> memref<2x64xi32, #tpu.memory_space<hbm>>
        tpu.wait_dma2 semaphore(%arg17 : memref<!tpu.dma_semaphore, #tpu.memory_space<semaphore_mem>>) src(%dma_wait3A_188 : memref<2x64xi32, #tpu.memory_space<hbm>>) dst(%arg9 : memref<2x64xi32, #tpu.memory_space<vmem>>)
        %dma_start3A_189 = arith.constant 0 : i32
        %dma_start3A_190 = arith.constant 0 : i32
        %dma_start3A_191 = arith.constant 0 : i32
        %dma_start3A_192 = tpu.memref_slice %arg11[%dma_start3A_190, %dma_start3A_191] : memref<64x128xf32, #tpu.memory_space<vmem>> -> memref<64x128xf32, #tpu.memory_space<vmem>>
        %dma_start3A_193 = arith.constant 0 : i32
        %dma_start3A_194 = tpu.memref_slice %arg9[%dma_start3A_189, %dma_start3A_193] : memref<2x64xi32, #tpu.memory_space<vmem>> -> memref<1x64xi32, #tpu.memory_space<vmem>>
        %dma_start3A_195 = tpu.memref_squeeze %dma_start3A_194 : memref<1x64xi32, #tpu.memory_space<vmem>> -> memref<64xi32, #tpu.memory_space<vmem>>
        %dma_start3A_196 = arith.constant 0 : i32
        %dma_start3A_197 = arith.constant 0 : i32
        %dma_start3A_198 = tpu.memref_slice %arg2[%dma_start3A_196, %dma_start3A_197] : memref<10000x128xf32, #tpu.memory_space<hbm>> -> memref<10000x128xf32, #tpu.memory_space<hbm>>
        tpu.enqueue_indirect_dma source(%dma_start3A_198 : memref<10000x128xf32, #tpu.memory_space<hbm>>) target(%dma_start3A_192 : memref<64x128xf32, #tpu.memory_space<vmem>>) offsets(%dma_start3A_195 : memref<64xi32, #tpu.memory_space<vmem>>) semaphore(%arg13 : memref<!tpu.dma_semaphore, #tpu.memory_space<semaphore_mem>>)
      } else {
      }
      %add3A_88 = arith.constant 3 : i32
      %add3A_89 = arith.addi %add3A_75, %add3A_88 : i32
      %lt3A_90 = arith.constant 160 : i32
      %lt3A_91 = arith.cmpi slt, %add3A_89, %lt3A_90 : i32
      %convert_element_type3A_92 = arith.extui %lt3A_91 : i1 to i32
      %cond3A_93 = arith.constant 0 : i32
      %cond3A_94 = arith.cmpi ne, %convert_element_type3A_92, %cond3A_93 : i32
      scf.if %cond3A_94 {
        %add3A_179 = arith.constant 3 : i32
        %add3A_180 = arith.addi %add3A_75, %add3A_179 : i32
        %dma_start3A_181 = arith.constant 0 : i32
        %dma_start3A_182 = arith.constant 0 : i32
        %dma_start3A_183 = tpu.memref_slice %arg3[%arg0, %arg1, %add3A_180, %dma_start3A_181, %dma_start3A_182] : memref<2x16x160x2x64xi32, #tpu.memory_space<hbm>> -> memref<1x1x1x2x64xi32, #tpu.memory_space<hbm>>
        %dma_start3A_184 = tpu.memref_squeeze %dma_start3A_183 : memref<1x1x1x2x64xi32, #tpu.memory_space<hbm>> -> memref<2x64xi32, #tpu.memory_space<hbm>>
        %dma_start3A_185 = arith.constant 0 : i32
        %dma_start3A_186 = arith.constant 0 : i32
        %dma_start3A_187 = tpu.memref_slice %arg3[%arg0, %arg1, %add3A_180, %dma_start3A_185, %dma_start3A_186] : memref<2x16x160x2x64xi32, #tpu.memory_space<hbm>> -> memref<1x1x1x2x64xi32, #tpu.memory_space<hbm>>
        %dma_start3A_188 = tpu.memref_squeeze %dma_start3A_187 : memref<1x1x1x2x64xi32, #tpu.memory_space<hbm>> -> memref<2x64xi32, #tpu.memory_space<hbm>>
        tpu.enqueue_dma source(%dma_start3A_188 : memref<2x64xi32, #tpu.memory_space<hbm>>) target(%arg7 : memref<2x64xi32, #tpu.memory_space<vmem>>) target_semaphore(%arg15 : memref<!tpu.dma_semaphore, #tpu.memory_space<semaphore_mem>>)
      } else {
      }
      %dma_wait3A_95 = arith.constant 0 : i32
      %dma_wait3A_96 = arith.constant 0 : i32
      %dma_wait3A_97 = tpu.memref_slice %arg8[%dma_wait3A_95, %dma_wait3A_96] : memref<2x64xi32, #tpu.memory_space<vmem>> -> memref<1x64xi32, #tpu.memory_space<vmem>>
      %dma_wait3A_98 = tpu.memref_squeeze %dma_wait3A_97 : memref<1x64xi32, #tpu.memory_space<vmem>> -> memref<64xi32, #tpu.memory_space<vmem>>
      %dma_wait3A_99 = arith.constant 0 : i32
      %dma_wait3A_100 = arith.constant 0 : i32
      %dma_wait3A_101 = tpu.memref_slice %arg2[%dma_wait3A_99, %dma_wait3A_100] : memref<10000x128xf32, #tpu.memory_space<hbm>> -> memref<10000x128xf32, #tpu.memory_space<hbm>>
      tpu.wait_indirect_dma semaphore(%arg14 : memref<!tpu.dma_semaphore, #tpu.memory_space<semaphore_mem>>) src(%dma_wait3A_101 : memref<10000x128xf32, #tpu.memory_space<hbm>>) dst(%arg12 : memref<64x128xf32, #tpu.memory_space<vmem>>)
      %dma_start3A_102 = arith.constant 1 : i32
      %dma_start3A_103 = arith.constant 0 : i32
      %dma_start3A_104 = tpu.memref_slice %arg8[%dma_start3A_102, %dma_start3A_103] : memref<2x64xi32, #tpu.memory_space<vmem>> -> memref<1x64xi32, #tpu.memory_space<vmem>>
      %dma_start3A_105 = tpu.memref_squeeze %dma_start3A_104 : memref<1x64xi32, #tpu.memory_space<vmem>> -> memref<64xi32, #tpu.memory_space<vmem>>
      %dma_start3A_106 = arith.constant 0 : i32
      %dma_start3A_107 = arith.constant 0 : i32
      %dma_start3A_108 = tpu.memref_slice %arg6[%dma_start3A_106, %dma_start3A_107] : memref<10112x128xf32, #tpu.memory_space<vmem_shared>> -> memref<10112x128xf32, #tpu.memory_space<vmem_shared>>
      tpu.enqueue_indirect_dma source(%arg12 : memref<64x128xf32, #tpu.memory_space<vmem>>) target(%dma_start3A_108 : memref<10112x128xf32, #tpu.memory_space<vmem_shared>>) offsets(%dma_start3A_105 : memref<64xi32, #tpu.memory_space<vmem>>) semaphore(%arg20 : memref<!tpu.dma_semaphore, #tpu.memory_space<semaphore_mem>>) {add = true}
      %add3A_109 = arith.constant 2 : i32
      %add3A_110 = arith.addi %add3A_42, %add3A_109 : i32
      %gt3A_111 = arith.constant 0 : i32
      %gt3A_112 = arith.cmpi sgt, %add3A_110, %gt3A_111 : i32
      %convert_element_type3A_113 = arith.extui %gt3A_112 : i1 to i32
      %cond3A_114 = arith.constant 0 : i32
      %cond3A_115 = arith.cmpi ne, %convert_element_type3A_113, %cond3A_114 : i32
      scf.if %cond3A_115 {
        %dma_wait3A_179 = arith.constant 1 : i32
        %dma_wait3A_180 = arith.constant 0 : i32
        %dma_wait3A_181 = tpu.memref_slice %arg8[%dma_wait3A_179, %dma_wait3A_180] : memref<2x64xi32, #tpu.memory_space<vmem>> -> memref<1x64xi32, #tpu.memory_space<vmem>>
        %dma_wait3A_182 = tpu.memref_squeeze %dma_wait3A_181 : memref<1x64xi32, #tpu.memory_space<vmem>> -> memref<64xi32, #tpu.memory_space<vmem>>
        %dma_wait3A_183 = arith.constant 0 : i32
        %dma_wait3A_184 = arith.constant 0 : i32
        %dma_wait3A_185 = tpu.memref_slice %arg6[%dma_wait3A_183, %dma_wait3A_184] : memref<10112x128xf32, #tpu.memory_space<vmem_shared>> -> memref<10112x128xf32, #tpu.memory_space<vmem_shared>>
        tpu.wait_indirect_dma semaphore(%arg20 : memref<!tpu.dma_semaphore, #tpu.memory_space<semaphore_mem>>) src(%arg12 : memref<64x128xf32, #tpu.memory_space<vmem>>) dst(%dma_wait3A_185 : memref<10112x128xf32, #tpu.memory_space<vmem_shared>>)
      } else {
      }
      %add3A_116 = arith.constant 1 : i32
      %add3A_117 = arith.addi %add3A_110, %add3A_116 : i32
      %lt3A_118 = arith.constant 160 : i32
      %lt3A_119 = arith.cmpi slt, %add3A_117, %lt3A_118 : i32
      %convert_element_type3A_120 = arith.extui %lt3A_119 : i1 to i32
      %cond3A_121 = arith.constant 0 : i32
      %cond3A_122 = arith.cmpi ne, %convert_element_type3A_120, %cond3A_121 : i32
      scf.if %cond3A_122 {
        %add3A_179 = arith.constant 1 : i32
        %add3A_180 = arith.addi %add3A_110, %add3A_179 : i32
        %dma_wait3A_181 = arith.constant 0 : i32
        %dma_wait3A_182 = arith.constant 0 : i32
        %dma_wait3A_183 = tpu.memref_slice %arg3[%arg0, %arg1, %add3A_180, %dma_wait3A_181, %dma_wait3A_182] : memref<2x16x160x2x64xi32, #tpu.memory_space<hbm>> -> memref<1x1x1x2x64xi32, #tpu.memory_space<hbm>>
        %dma_wait3A_184 = tpu.memref_squeeze %dma_wait3A_183 : memref<1x1x1x2x64xi32, #tpu.memory_space<hbm>> -> memref<2x64xi32, #tpu.memory_space<hbm>>
        %dma_wait3A_185 = arith.constant 0 : i32
        %dma_wait3A_186 = arith.constant 0 : i32
        %dma_wait3A_187 = tpu.memref_slice %arg3[%arg0, %arg1, %add3A_180, %dma_wait3A_185, %dma_wait3A_186] : memref<2x16x160x2x64xi32, #tpu.memory_space<hbm>> -> memref<1x1x1x2x64xi32, #tpu.memory_space<hbm>>
        %dma_wait3A_188 = tpu.memref_squeeze %dma_wait3A_187 : memref<1x1x1x2x64xi32, #tpu.memory_space<hbm>> -> memref<2x64xi32, #tpu.memory_space<hbm>>
        tpu.wait_dma2 semaphore(%arg18 : memref<!tpu.dma_semaphore, #tpu.memory_space<semaphore_mem>>) src(%dma_wait3A_188 : memref<2x64xi32, #tpu.memory_space<hbm>>) dst(%arg10 : memref<2x64xi32, #tpu.memory_space<vmem>>)
        %dma_start3A_189 = arith.constant 0 : i32
        %dma_start3A_190 = arith.constant 0 : i32
        %dma_start3A_191 = arith.constant 0 : i32
        %dma_start3A_192 = tpu.memref_slice %arg12[%dma_start3A_190, %dma_start3A_191] : memref<64x128xf32, #tpu.memory_space<vmem>> -> memref<64x128xf32, #tpu.memory_space<vmem>>
        %dma_start3A_193 = arith.constant 0 : i32
        %dma_start3A_194 = tpu.memref_slice %arg10[%dma_start3A_189, %dma_start3A_193] : memref<2x64xi32, #tpu.memory_space<vmem>> -> memref<1x64xi32, #tpu.memory_space<vmem>>
        %dma_start3A_195 = tpu.memref_squeeze %dma_start3A_194 : memref<1x64xi32, #tpu.memory_space<vmem>> -> memref<64xi32, #tpu.memory_space<vmem>>
        %dma_start3A_196 = arith.constant 0 : i32
        %dma_start3A_197 = arith.constant 0 : i32
        %dma_start3A_198 = tpu.memref_slice %arg2[%dma_start3A_196, %dma_start3A_197] : memref<10000x128xf32, #tpu.memory_space<hbm>> -> memref<10000x128xf32, #tpu.memory_space<hbm>>
        tpu.enqueue_indirect_dma source(%dma_start3A_198 : memref<10000x128xf32, #tpu.memory_space<hbm>>) target(%dma_start3A_192 : memref<64x128xf32, #tpu.memory_space<vmem>>) offsets(%dma_start3A_195 : memref<64xi32, #tpu.memory_space<vmem>>) semaphore(%arg14 : memref<!tpu.dma_semaphore, #tpu.memory_space<semaphore_mem>>)
      } else {
      }
      %add3A_123 = arith.constant 3 : i32
      %add3A_124 = arith.addi %add3A_110, %add3A_123 : i32
      %lt3A_125 = arith.constant 160 : i32
      %lt3A_126 = arith.cmpi slt, %add3A_124, %lt3A_125 : i32
      %convert_element_type3A_127 = arith.extui %lt3A_126 : i1 to i32
      %cond3A_128 = arith.constant 0 : i32
      %cond3A_129 = arith.cmpi ne, %convert_element_type3A_127, %cond3A_128 : i32
      scf.if %cond3A_129 {
        %add3A_179 = arith.constant 3 : i32
        %add3A_180 = arith.addi %add3A_110, %add3A_179 : i32
        %dma_start3A_181 = arith.constant 0 : i32
        %dma_start3A_182 = arith.constant 0 : i32
        %dma_start3A_183 = tpu.memref_slice %arg3[%arg0, %arg1, %add3A_180, %dma_start3A_181, %dma_start3A_182] : memref<2x16x160x2x64xi32, #tpu.memory_space<hbm>> -> memref<1x1x1x2x64xi32, #tpu.memory_space<hbm>>
        %dma_start3A_184 = tpu.memref_squeeze %dma_start3A_183 : memref<1x1x1x2x64xi32, #tpu.memory_space<hbm>> -> memref<2x64xi32, #tpu.memory_space<hbm>>
        %dma_start3A_185 = arith.constant 0 : i32
        %dma_start3A_186 = arith.constant 0 : i32
        %dma_start3A_187 = tpu.memref_slice %arg3[%arg0, %arg1, %add3A_180, %dma_start3A_185, %dma_start3A_186] : memref<2x16x160x2x64xi32, #tpu.memory_space<hbm>> -> memref<1x1x1x2x64xi32, #tpu.memory_space<hbm>>
        %dma_start3A_188 = tpu.memref_squeeze %dma_start3A_187 : memref<1x1x1x2x64xi32, #tpu.memory_space<hbm>> -> memref<2x64xi32, #tpu.memory_space<hbm>>
        tpu.enqueue_dma source(%dma_start3A_188 : memref<2x64xi32, #tpu.memory_space<hbm>>) target(%arg8 : memref<2x64xi32, #tpu.memory_space<vmem>>) target_semaphore(%arg16 : memref<!tpu.dma_semaphore, #tpu.memory_space<semaphore_mem>>)
      } else {
      }
      %dma_wait3A_130 = arith.constant 0 : i32
      %dma_wait3A_131 = arith.constant 0 : i32
      %dma_wait3A_132 = tpu.memref_slice %arg9[%dma_wait3A_130, %dma_wait3A_131] : memref<2x64xi32, #tpu.memory_space<vmem>> -> memref<1x64xi32, #tpu.memory_space<vmem>>
      %dma_wait3A_133 = tpu.memref_squeeze %dma_wait3A_132 : memref<1x64xi32, #tpu.memory_space<vmem>> -> memref<64xi32, #tpu.memory_space<vmem>>
      %dma_wait3A_134 = arith.constant 0 : i32
      %dma_wait3A_135 = arith.constant 0 : i32
      %dma_wait3A_136 = tpu.memref_slice %arg2[%dma_wait3A_134, %dma_wait3A_135] : memref<10000x128xf32, #tpu.memory_space<hbm>> -> memref<10000x128xf32, #tpu.memory_space<hbm>>
      tpu.wait_indirect_dma semaphore(%arg13 : memref<!tpu.dma_semaphore, #tpu.memory_space<semaphore_mem>>) src(%dma_wait3A_136 : memref<10000x128xf32, #tpu.memory_space<hbm>>) dst(%arg11 : memref<64x128xf32, #tpu.memory_space<vmem>>)
      %dma_start3A_137 = arith.constant 1 : i32
      %dma_start3A_138 = arith.constant 0 : i32
      %dma_start3A_139 = tpu.memref_slice %arg9[%dma_start3A_137, %dma_start3A_138] : memref<2x64xi32, #tpu.memory_space<vmem>> -> memref<1x64xi32, #tpu.memory_space<vmem>>
      %dma_start3A_140 = tpu.memref_squeeze %dma_start3A_139 : memref<1x64xi32, #tpu.memory_space<vmem>> -> memref<64xi32, #tpu.memory_space<vmem>>
      %dma_start3A_141 = arith.constant 0 : i32
      %dma_start3A_142 = arith.constant 0 : i32
      %dma_start3A_143 = tpu.memref_slice %arg6[%dma_start3A_141, %dma_start3A_142] : memref<10112x128xf32, #tpu.memory_space<vmem_shared>> -> memref<10112x128xf32, #tpu.memory_space<vmem_shared>>
      tpu.enqueue_indirect_dma source(%arg11 : memref<64x128xf32, #tpu.memory_space<vmem>>) target(%dma_start3A_143 : memref<10112x128xf32, #tpu.memory_space<vmem_shared>>) offsets(%dma_start3A_140 : memref<64xi32, #tpu.memory_space<vmem>>) semaphore(%arg19 : memref<!tpu.dma_semaphore, #tpu.memory_space<semaphore_mem>>) {add = true}
      %add3A_144 = arith.constant 3 : i32
      %add3A_145 = arith.addi %add3A_42, %add3A_144 : i32
      %gt3A_146 = arith.constant 0 : i32
      %gt3A_147 = arith.cmpi sgt, %add3A_145, %gt3A_146 : i32
      %convert_element_type3A_148 = arith.extui %gt3A_147 : i1 to i32
      %cond3A_149 = arith.constant 0 : i32
      %cond3A_150 = arith.cmpi ne, %convert_element_type3A_148, %cond3A_149 : i32
      scf.if %cond3A_150 {
        %dma_wait3A_179 = arith.constant 1 : i32
        %dma_wait3A_180 = arith.constant 0 : i32
        %dma_wait3A_181 = tpu.memref_slice %arg9[%dma_wait3A_179, %dma_wait3A_180] : memref<2x64xi32, #tpu.memory_space<vmem>> -> memref<1x64xi32, #tpu.memory_space<vmem>>
        %dma_wait3A_182 = tpu.memref_squeeze %dma_wait3A_181 : memref<1x64xi32, #tpu.memory_space<vmem>> -> memref<64xi32, #tpu.memory_space<vmem>>
        %dma_wait3A_183 = arith.constant 0 : i32
        %dma_wait3A_184 = arith.constant 0 : i32
        %dma_wait3A_185 = tpu.memref_slice %arg6[%dma_wait3A_183, %dma_wait3A_184] : memref<10112x128xf32, #tpu.memory_space<vmem_shared>> -> memref<10112x128xf32, #tpu.memory_space<vmem_shared>>
        tpu.wait_indirect_dma semaphore(%arg19 : memref<!tpu.dma_semaphore, #tpu.memory_space<semaphore_mem>>) src(%arg11 : memref<64x128xf32, #tpu.memory_space<vmem>>) dst(%dma_wait3A_185 : memref<10112x128xf32, #tpu.memory_space<vmem_shared>>)
      } else {
      }
      %add3A_151 = arith.constant 1 : i32
      %add3A_152 = arith.addi %add3A_145, %add3A_151 : i32
      %lt3A_153 = arith.constant 160 : i32
      %lt3A_154 = arith.cmpi slt, %add3A_152, %lt3A_153 : i32
      %convert_element_type3A_155 = arith.extui %lt3A_154 : i1 to i32
      %cond3A_156 = arith.constant 0 : i32
      %cond3A_157 = arith.cmpi ne, %convert_element_type3A_155, %cond3A_156 : i32
      scf.if %cond3A_157 {
        %add3A_179 = arith.constant 1 : i32
        %add3A_180 = arith.addi %add3A_145, %add3A_179 : i32
        %dma_wait3A_181 = arith.constant 0 : i32
        %dma_wait3A_182 = arith.constant 0 : i32
        %dma_wait3A_183 = tpu.memref_slice %arg3[%arg0, %arg1, %add3A_180, %dma_wait3A_181, %dma_wait3A_182] : memref<2x16x160x2x64xi32, #tpu.memory_space<hbm>> -> memref<1x1x1x2x64xi32, #tpu.memory_space<hbm>>
        %dma_wait3A_184 = tpu.memref_squeeze %dma_wait3A_183 : memref<1x1x1x2x64xi32, #tpu.memory_space<hbm>> -> memref<2x64xi32, #tpu.memory_space<hbm>>
        %dma_wait3A_185 = arith.constant 0 : i32
        %dma_wait3A_186 = arith.constant 0 : i32
        %dma_wait3A_187 = tpu.memref_slice %arg3[%arg0, %arg1, %add3A_180, %dma_wait3A_185, %dma_wait3A_186] : memref<2x16x160x2x64xi32, #tpu.memory_space<hbm>> -> memref<1x1x1x2x64xi32, #tpu.memory_space<hbm>>
        %dma_wait3A_188 = tpu.memref_squeeze %dma_wait3A_187 : memref<1x1x1x2x64xi32, #tpu.memory_space<hbm>> -> memref<2x64xi32, #tpu.memory_space<hbm>>
        tpu.wait_dma2 semaphore(%arg15 : memref<!tpu.dma_semaphore, #tpu.memory_space<semaphore_mem>>) src(%dma_wait3A_188 : memref<2x64xi32, #tpu.memory_space<hbm>>) dst(%arg7 : memref<2x64xi32, #tpu.memory_space<vmem>>)
        %dma_start3A_189 = arith.constant 0 : i32
        %dma_start3A_190 = arith.constant 0 : i32
        %dma_start3A_191 = arith.constant 0 : i32
        %dma_start3A_192 = tpu.memref_slice %arg11[%dma_start3A_190, %dma_start3A_191] : memref<64x128xf32, #tpu.memory_space<vmem>> -> memref<64x128xf32, #tpu.memory_space<vmem>>
        %dma_start3A_193 = arith.constant 0 : i32
        %dma_start3A_194 = tpu.memref_slice %arg7[%dma_start3A_189, %dma_start3A_193] : memref<2x64xi32, #tpu.memory_space<vmem>> -> memref<1x64xi32, #tpu.memory_space<vmem>>
        %dma_start3A_195 = tpu.memref_squeeze %dma_start3A_194 : memref<1x64xi32, #tpu.memory_space<vmem>> -> memref<64xi32, #tpu.memory_space<vmem>>
        %dma_start3A_196 = arith.constant 0 : i32
        %dma_start3A_197 = arith.constant 0 : i32
        %dma_start3A_198 = tpu.memref_slice %arg2[%dma_start3A_196, %dma_start3A_197] : memref<10000x128xf32, #tpu.memory_space<hbm>> -> memref<10000x128xf32, #tpu.memory_space<hbm>>
        tpu.enqueue_indirect_dma source(%dma_start3A_198 : memref<10000x128xf32, #tpu.memory_space<hbm>>) target(%dma_start3A_192 : memref<64x128xf32, #tpu.memory_space<vmem>>) offsets(%dma_start3A_195 : memref<64xi32, #tpu.memory_space<vmem>>) semaphore(%arg13 : memref<!tpu.dma_semaphore, #tpu.memory_space<semaphore_mem>>)
      } else {
      }
      %add3A_158 = arith.constant 3 : i32
      %add3A_159 = arith.addi %add3A_145, %add3A_158 : i32
      %lt3A_160 = arith.constant 160 : i32
      %lt3A_161 = arith.cmpi slt, %add3A_159, %lt3A_160 : i32
      %convert_element_type3A_162 = arith.extui %lt3A_161 : i1 to i32
      %cond3A_163 = arith.constant 0 : i32
      %cond3A_164 = arith.cmpi ne, %convert_element_type3A_162, %cond3A_163 : i32
      scf.if %cond3A_164 {
        %add3A_179 = arith.constant 3 : i32
        %add3A_180 = arith.addi %add3A_145, %add3A_179 : i32
        %dma_start3A_181 = arith.constant 0 : i32
        %dma_start3A_182 = arith.constant 0 : i32
        %dma_start3A_183 = tpu.memref_slice %arg3[%arg0, %arg1, %add3A_180, %dma_start3A_181, %dma_start3A_182] : memref<2x16x160x2x64xi32, #tpu.memory_space<hbm>> -> memref<1x1x1x2x64xi32, #tpu.memory_space<hbm>>
        %dma_start3A_184 = tpu.memref_squeeze %dma_start3A_183 : memref<1x1x1x2x64xi32, #tpu.memory_space<hbm>> -> memref<2x64xi32, #tpu.memory_space<hbm>>
        %dma_start3A_185 = arith.constant 0 : i32
        %dma_start3A_186 = arith.constant 0 : i32
        %dma_start3A_187 = tpu.memref_slice %arg3[%arg0, %arg1, %add3A_180, %dma_start3A_185, %dma_start3A_186] : memref<2x16x160x2x64xi32, #tpu.memory_space<hbm>> -> memref<1x1x1x2x64xi32, #tpu.memory_space<hbm>>
        %dma_start3A_188 = tpu.memref_squeeze %dma_start3A_187 : memref<1x1x1x2x64xi32, #tpu.memory_space<hbm>> -> memref<2x64xi32, #tpu.memory_space<hbm>>
        tpu.enqueue_dma source(%dma_start3A_188 : memref<2x64xi32, #tpu.memory_space<hbm>>) target(%arg9 : memref<2x64xi32, #tpu.memory_space<vmem>>) target_semaphore(%arg17 : memref<!tpu.dma_semaphore, #tpu.memory_space<semaphore_mem>>)
      } else {
      }
      %dma_wait3A_165 = arith.constant 0 : i32
      %dma_wait3A_166 = arith.constant 0 : i32
      %dma_wait3A_167 = tpu.memref_slice %arg10[%dma_wait3A_165, %dma_wait3A_166] : memref<2x64xi32, #tpu.memory_space<vmem>> -> memref<1x64xi32, #tpu.memory_space<vmem>>
      %dma_wait3A_168 = tpu.memref_squeeze %dma_wait3A_167 : memref<1x64xi32, #tpu.memory_space<vmem>> -> memref<64xi32, #tpu.memory_space<vmem>>
      %dma_wait3A_169 = arith.constant 0 : i32
      %dma_wait3A_170 = arith.constant 0 : i32
      %dma_wait3A_171 = tpu.memref_slice %arg2[%dma_wait3A_169, %dma_wait3A_170] : memref<10000x128xf32, #tpu.memory_space<hbm>> -> memref<10000x128xf32, #tpu.memory_space<hbm>>
      tpu.wait_indirect_dma semaphore(%arg14 : memref<!tpu.dma_semaphore, #tpu.memory_space<semaphore_mem>>) src(%dma_wait3A_171 : memref<10000x128xf32, #tpu.memory_space<hbm>>) dst(%arg12 : memref<64x128xf32, #tpu.memory_space<vmem>>)
      %dma_start3A_172 = arith.constant 1 : i32
      %dma_start3A_173 = arith.constant 0 : i32
      %dma_start3A_174 = tpu.memref_slice %arg10[%dma_start3A_172, %dma_start3A_173] : memref<2x64xi32, #tpu.memory_space<vmem>> -> memref<1x64xi32, #tpu.memory_space<vmem>>
      %dma_start3A_175 = tpu.memref_squeeze %dma_start3A_174 : memref<1x64xi32, #tpu.memory_space<vmem>> -> memref<64xi32, #tpu.memory_space<vmem>>
      %dma_start3A_176 = arith.constant 0 : i32
      %dma_start3A_177 = arith.constant 0 : i32
      %dma_start3A_178 = tpu.memref_slice %arg6[%dma_start3A_176, %dma_start3A_177] : memref<10112x128xf32, #tpu.memory_space<vmem_shared>> -> memref<10112x128xf32, #tpu.memory_space<vmem_shared>>
      tpu.enqueue_indirect_dma source(%arg12 : memref<64x128xf32, #tpu.memory_space<vmem>>) target(%dma_start3A_178 : memref<10112x128xf32, #tpu.memory_space<vmem_shared>>) offsets(%dma_start3A_175 : memref<64xi32, #tpu.memory_space<vmem>>) semaphore(%arg20 : memref<!tpu.dma_semaphore, #tpu.memory_space<semaphore_mem>>) {add = true}
    }
    %scan3A_31 = arith.constant 40 : i32
    %dma_wait3A = arith.constant 1 : i32
    %dma_wait3A_32 = arith.constant 0 : i32
    %dma_wait3A_33 = tpu.memref_slice %arg10[%dma_wait3A, %dma_wait3A_32] : memref<2x64xi32, #tpu.memory_space<vmem>> -> memref<1x64xi32, #tpu.memory_space<vmem>>
    %dma_wait3A_34 = tpu.memref_squeeze %dma_wait3A_33 : memref<1x64xi32, #tpu.memory_space<vmem>> -> memref<64xi32, #tpu.memory_space<vmem>>
    %dma_wait3A_35 = arith.constant 0 : i32
    %dma_wait3A_36 = arith.constant 0 : i32
    %dma_wait3A_37 = tpu.memref_slice %arg6[%dma_wait3A_35, %dma_wait3A_36] : memref<10112x128xf32, #tpu.memory_space<vmem_shared>> -> memref<10112x128xf32, #tpu.memory_space<vmem_shared>>
    tpu.wait_indirect_dma semaphore(%arg20 : memref<!tpu.dma_semaphore, #tpu.memory_space<semaphore_mem>>) src(%arg12 : memref<64x128xf32, #tpu.memory_space<vmem>>) dst(%dma_wait3A_37 : memref<10112x128xf32, #tpu.memory_space<vmem_shared>>)
    %barrier3A_38 = arith.constant 0 : index
    tpu.barrier barrier_id(%barrier3A_38)
    "tpu.region"() ({
      %run_scoped3A_39 = tpu.sem_alloc : memref<!tpu.dma_semaphore, #tpu.memory_space<semaphore_mem>>
      %dma_start3A_40 = arith.constant 0 : i32
      %dma_start3A_41 = tpu.memref_slice %arg5[%arg0, %mul3A_0, %dma_start3A_40] : memref<2x10112x128xf32, #tpu.memory_space<hbm>> -> memref<1x632x128xf32, #tpu.memory_space<hbm>>
      %dma_start3A_42 = tpu.memref_squeeze %dma_start3A_41 : memref<1x632x128xf32, #tpu.memory_space<hbm>> -> memref<632x128xf32, #tpu.memory_space<hbm>>
      %dma_start3A_43 = arith.constant 0 : i32
      %dma_start3A_44 = tpu.memref_slice %arg6[%mul3A_0, %dma_start3A_43] : memref<10112x128xf32, #tpu.memory_space<vmem_shared>> -> memref<632x128xf32, #tpu.memory_space<vmem_shared>>
      tpu.enqueue_dma source(%dma_start3A_44 : memref<632x128xf32, #tpu.memory_space<vmem_shared>>) target(%dma_start3A_42 : memref<632x128xf32, #tpu.memory_space<hbm>>) target_semaphore(%run_scoped3A_39 : memref<!tpu.dma_semaphore, #tpu.memory_space<semaphore_mem>>)
      %dma_wait3A_45 = arith.constant 0 : i32
      %dma_wait3A_46 = tpu.memref_slice %arg5[%arg0, %mul3A_0, %dma_wait3A_45] : memref<2x10112x128xf32, #tpu.memory_space<hbm>> -> memref<1x632x128xf32, #tpu.memory_space<hbm>>
      %dma_wait3A_47 = tpu.memref_squeeze %dma_wait3A_46 : memref<1x632x128xf32, #tpu.memory_space<hbm>> -> memref<632x128xf32, #tpu.memory_space<hbm>>
      %dma_wait3A_48 = arith.constant 0 : i32
      %dma_wait3A_49 = tpu.memref_slice %arg6[%mul3A_0, %dma_wait3A_48] : memref<10112x128xf32, #tpu.memory_space<vmem_shared>> -> memref<632x128xf32, #tpu.memory_space<vmem_shared>>
      tpu.wait_dma2 semaphore(%run_scoped3A_39 : memref<!tpu.dma_semaphore, #tpu.memory_space<semaphore_mem>>) src(%dma_wait3A_49 : memref<632x128xf32, #tpu.memory_space<vmem_shared>>) dst(%dma_wait3A_47 : memref<632x128xf32, #tpu.memory_space<hbm>>)
      tpu.yield
    }) : () -> ()
    return
  }
}

module attributes {stable_mosaic.version = 14 : i64} {
  func.func @_tc_scale_body(%arg0: memref<10000x128xf32, #tpu.memory_space<vmem>>, %arg1: memref<10112x128xf32, #tpu.memory_space<vmem>>, %arg2: memref<10112x128xf32, #tpu.memory_space<vmem>>, %arg3: memref<10000x128xf32, #tpu.memory_space<vmem>>) attributes {dimension_semantics = [], scalar_prefetch = 0 : i64, scratch_operands = 0 : i64, tpu.core_type = #tpu.core_type<tc>} {
    %get3A = arith.constant 0 : index
    %get3A_0 = arith.constant 0 : index
    %get3A_1 = vector.load %arg1[%get3A, %get3A_0] : memref<10112x128xf32, #tpu.memory_space<vmem>>, vector<10112x128xf32>
    %get3A_2 = arith.constant 0 : index
    %get3A_3 = arith.constant 0 : index
    %get3A_4 = vector.load %arg2[%get3A_2, %get3A_3] : memref<10112x128xf32, #tpu.memory_space<vmem>>, vector<10112x128xf32>
    %slice3A = vector.extract_strided_slice %get3A_1 {offsets = [0, 0], sizes = [10000, 1], strides = [1, 1]} : vector<10112x128xf32> to vector<10000x1xf32>
    %add3A = arith.constant 1.000000e+00 : f32
    %add3A_5 = vector.broadcast %add3A : f32 to vector<10000x1xf32>
    %add3A_6 = arith.addf %add3A_5, %slice3A : vector<10000x1xf32>
    %slice3A_7 = vector.extract_strided_slice %get3A_4 {offsets = [0, 0], sizes = [10000, 1], strides = [1, 1]} : vector<10112x128xf32> to vector<10000x1xf32>
    %add3A_8 = arith.addf %add3A_6, %slice3A_7 : vector<10000x1xf32>
    %get3A_9 = arith.constant 0 : index
    %get3A_10 = arith.constant 0 : index
    %get3A_11 = vector.load %arg0[%get3A_9, %get3A_10] : memref<10000x128xf32, #tpu.memory_space<vmem>>, vector<10000x128xf32>
    %rsqrt3A = math.rsqrt %add3A_8 : vector<10000x1xf32>
    %mul3A = vector.broadcast %rsqrt3A : vector<10000x1xf32> to vector<10000x128xf32>
    %mul3A_12 = arith.mulf %get3A_11, %mul3A : vector<10000x128xf32>
    %swap3A = arith.constant 0 : index
    %swap3A_13 = arith.constant 0 : index
    %swap3A_14 = vector.load %arg3[%swap3A, %swap3A_13] : memref<10000x128xf32, #tpu.memory_space<vmem>>, vector<10000x128xf32>
    tpu.vector_store %arg3[%swap3A, %swap3A_13], %mul3A_12 {strides = array<i32>} : memref<10000x128xf32, #tpu.memory_space<vmem>>, vector<10000x128xf32>,
    return
  }
}

module attributes {stable_mosaic.version = 14 : i64} {
  func.func @_tc_combine_body(%arg0: memref<10000x128xf32, #tpu.memory_space<vmem>>, %arg1: memref<10112x128xf32, #tpu.memory_space<vmem>>, %arg2: memref<10112x128xf32, #tpu.memory_space<vmem>>, %arg3: memref<10112x128xf32, #tpu.memory_space<vmem>>, %arg4: memref<10112x128xf32, #tpu.memory_space<vmem>>, %arg5: memref<10000x128xf32, #tpu.memory_space<vmem>>) attributes {dimension_semantics = [], scalar_prefetch = 0 : i64, scratch_operands = 0 : i64, tpu.core_type = #tpu.core_type<tc>} {
    %get3A = arith.constant 0 : index
    %get3A_0 = arith.constant 0 : index
    %get3A_1 = vector.load %arg3[%get3A, %get3A_0] : memref<10112x128xf32, #tpu.memory_space<vmem>>, vector<10112x128xf32>
    %get3A_2 = arith.constant 0 : index
    %get3A_3 = arith.constant 0 : index
    %get3A_4 = vector.load %arg4[%get3A_2, %get3A_3] : memref<10112x128xf32, #tpu.memory_space<vmem>>, vector<10112x128xf32>
    %slice3A = vector.extract_strided_slice %get3A_1 {offsets = [0, 0], sizes = [10000, 1], strides = [1, 1]} : vector<10112x128xf32> to vector<10000x1xf32>
    %add3A = arith.constant 1.000000e+00 : f32
    %add3A_5 = vector.broadcast %add3A : f32 to vector<10000x1xf32>
    %add3A_6 = arith.addf %add3A_5, %slice3A : vector<10000x1xf32>
    %slice3A_7 = vector.extract_strided_slice %get3A_4 {offsets = [0, 0], sizes = [10000, 1], strides = [1, 1]} : vector<10112x128xf32> to vector<10000x1xf32>
    %add3A_8 = arith.addf %add3A_6, %slice3A_7 : vector<10000x1xf32>
    %get3A_9 = arith.constant 0 : index
    %get3A_10 = arith.constant 0 : index
    %get3A_11 = vector.load %arg0[%get3A_9, %get3A_10] : memref<10000x128xf32, #tpu.memory_space<vmem>>, vector<10000x128xf32>
    %get3A_12 = arith.constant 0 : index
    %get3A_13 = arith.constant 0 : index
    %get3A_14 = vector.load %arg1[%get3A_12, %get3A_13] : memref<10112x128xf32, #tpu.memory_space<vmem>>, vector<10112x128xf32>
    %slice3A_15 = vector.extract_strided_slice %get3A_14 {offsets = [0, 0], sizes = [10000, 128], strides = [1, 1]} : vector<10112x128xf32> to vector<10000x128xf32>
    %add3A_16 = arith.addf %get3A_11, %slice3A_15 : vector<10000x128xf32>
    %get3A_17 = arith.constant 0 : index
    %get3A_18 = arith.constant 0 : index
    %get3A_19 = vector.load %arg2[%get3A_17, %get3A_18] : memref<10112x128xf32, #tpu.memory_space<vmem>>, vector<10112x128xf32>
    %slice3A_20 = vector.extract_strided_slice %get3A_19 {offsets = [0, 0], sizes = [10000, 128], strides = [1, 1]} : vector<10112x128xf32> to vector<10000x128xf32>
    %add3A_21 = arith.addf %add3A_16, %slice3A_20 : vector<10000x128xf32>
    %div3A = vector.broadcast %add3A_8 : vector<10000x1xf32> to vector<10000x128xf32>
    %div3A_22 = arith.divf %add3A_21, %div3A : vector<10000x128xf32>
    %swap3A = arith.constant 0 : index
    %swap3A_23 = arith.constant 0 : index
    %swap3A_24 = vector.load %arg5[%swap3A, %swap3A_23] : memref<10000x128xf32, #tpu.memory_space<vmem>>, vector<10000x128xf32>
    tpu.vector_store %arg5[%swap3A, %swap3A_23], %div3A_22 {strides = array<i32>} : memref<10000x128xf32, #tpu.memory_space<vmem>>, vector<10000x128xf32>,
    return
  }
}

module attributes {stable_mosaic.version = 14 : i64} {
  func.func @_tc_final_body(%arg0: memref<10000x128xf32, #tpu.memory_space<vmem>>, %arg1: memref<10112x128xf32, #tpu.memory_space<vmem>>, %arg2: memref<10112x128xf32, #tpu.memory_space<vmem>>, %arg3: memref<10112x128xf32, #tpu.memory_space<vmem>>, %arg4: memref<10112x128xf32, #tpu.memory_space<vmem>>, %arg5: memref<128x128xf32, #tpu.memory_space<vmem>>, %arg6: memref<1x128xf32, #tpu.memory_space<vmem>>, %arg7: memref<10000x128xf32, #tpu.memory_space<vmem>>) attributes {dimension_semantics = [], scalar_prefetch = 0 : i64, scratch_operands = 0 : i64, tpu.core_type = #tpu.core_type<tc>} {
    %get3A = arith.constant 0 : index
    %get3A_0 = arith.constant 0 : index
    %get3A_1 = vector.load %arg3[%get3A, %get3A_0] : memref<10112x128xf32, #tpu.memory_space<vmem>>, vector<10112x128xf32>
    %get3A_2 = arith.constant 0 : index
    %get3A_3 = arith.constant 0 : index
    %get3A_4 = vector.load %arg4[%get3A_2, %get3A_3] : memref<10112x128xf32, #tpu.memory_space<vmem>>, vector<10112x128xf32>
    %slice3A = vector.extract_strided_slice %get3A_1 {offsets = [0, 0], sizes = [10000, 1], strides = [1, 1]} : vector<10112x128xf32> to vector<10000x1xf32>
    %add3A = arith.constant 1.000000e+00 : f32
    %add3A_5 = vector.broadcast %add3A : f32 to vector<10000x1xf32>
    %add3A_6 = arith.addf %add3A_5, %slice3A : vector<10000x1xf32>
    %slice3A_7 = vector.extract_strided_slice %get3A_4 {offsets = [0, 0], sizes = [10000, 1], strides = [1, 1]} : vector<10112x128xf32> to vector<10000x1xf32>
    %add3A_8 = arith.addf %add3A_6, %slice3A_7 : vector<10000x1xf32>
    %get3A_9 = arith.constant 0 : index
    %get3A_10 = arith.constant 0 : index
    %get3A_11 = vector.load %arg0[%get3A_9, %get3A_10] : memref<10000x128xf32, #tpu.memory_space<vmem>>, vector<10000x128xf32>
    %get3A_12 = arith.constant 0 : index
    %get3A_13 = arith.constant 0 : index
    %get3A_14 = vector.load %arg1[%get3A_12, %get3A_13] : memref<10112x128xf32, #tpu.memory_space<vmem>>, vector<10112x128xf32>
    %slice3A_15 = vector.extract_strided_slice %get3A_14 {offsets = [0, 0], sizes = [10000, 128], strides = [1, 1]} : vector<10112x128xf32> to vector<10000x128xf32>
    %add3A_16 = arith.addf %get3A_11, %slice3A_15 : vector<10000x128xf32>
    %get3A_17 = arith.constant 0 : index
    %get3A_18 = arith.constant 0 : index
    %get3A_19 = vector.load %arg2[%get3A_17, %get3A_18] : memref<10112x128xf32, #tpu.memory_space<vmem>>, vector<10112x128xf32>
    %slice3A_20 = vector.extract_strided_slice %get3A_19 {offsets = [0, 0], sizes = [10000, 128], strides = [1, 1]} : vector<10112x128xf32> to vector<10000x128xf32>
    %add3A_21 = arith.addf %add3A_16, %slice3A_20 : vector<10000x128xf32>
    %rsqrt3A = math.rsqrt %add3A_8 : vector<10000x1xf32>
    %mul3A = vector.broadcast %rsqrt3A : vector<10000x1xf32> to vector<10000x128xf32>
    %mul3A_22 = arith.mulf %add3A_21, %mul3A : vector<10000x128xf32>
    %get3A_23 = arith.constant 0 : index
    %get3A_24 = arith.constant 0 : index
    %get3A_25 = vector.load %arg5[%get3A_23, %get3A_24] : memref<128x128xf32, #tpu.memory_space<vmem>>, vector<128x128xf32>
    %dot_general3A = arith.constant dense<0.000000e+00> : vector<10000x128xf32>
    %dot_general3A_26 = tpu.matmul %mul3A_22, %get3A_25, %dot_general3A {dimension_numbers = #tpu.dot_dimension_numbers<[1], [0], [0], [1], [0, 0, 1, 1], [], []>, transpose_lhs_hint = false} : vector<10000x128xf32>, vector<128x128xf32>, vector<10000x128xf32> -> vector<10000x128xf32>
    %get3A_27 = arith.constant 0 : index
    %get3A_28 = arith.constant 0 : index
    %get3A_29 = vector.load %arg6[%get3A_27, %get3A_28] : memref<1x128xf32, #tpu.memory_space<vmem>>, vector<1x128xf32>
    %add3A_30 = vector.broadcast %get3A_29 : vector<1x128xf32> to vector<10000x128xf32>
    %add3A_31 = arith.addf %dot_general3A_26, %add3A_30 : vector<10000x128xf32>
    %swap3A = arith.constant 0 : index
    %swap3A_32 = arith.constant 0 : index
    %swap3A_33 = vector.load %arg7[%swap3A, %swap3A_32] : memref<10000x128xf32, #tpu.memory_space<vmem>>, vector<10000x128xf32>
    tpu.vector_store %arg7[%swap3A, %swap3A_32], %add3A_31 {strides = array<i32>} : memref<10000x128xf32, #tpu.memory_space<vmem>>, vector<10000x128xf32>,
    return
  }
}

</mosaic_0001>

<sc_bundles>
// kernel: kernel.11.cloned.1.call-start
scs
__scs_entry_jumppad:
0x0: {  	(pc) =	sbr.rel $0x88, $3  }
0x1: {  	(tag) =	ssettag $0x0;
	lr =	simm.s32 $0x1  }
0x2: {  	[smem:$0x3F9D] =	sst lr;
	_ =	strace $0xD0000000  }
0x3: {  	_ = 	snop  }
0x4: {  	_ = 	snop  }
0x5: {  	_ = 	snop  }
0x6: {  	_ = 	snop  }
0x7: {  	_ = 	snop  }
__scs_overlays_trampoline_lowered:
0x8: {  	[smem:$0x3FAC] =	sst s0  }
0x9: {  	[smem:$0x3FAD] =	sst s1  }
0xa: {  	[smem:$0x3FAE] =	sst s2  }
0xb: {  	[smem:$0x3FAF] =	sst s3  }
0xc: {  	[smem:$0x3FB0] =	sst s4  }
0xd: {  	[smem:$0x3FB1] =	sst s5  }
0xe: {  	[smem:$0x3FB2] =	sst s6  }
0xf: {  	[smem:$0x3FB3] =	sst s7  }
0x10: {  	[smem:$0x3FB4] =	sst s8  }
0x11: {  	[smem:$0x3FB5] =	sst s9;
	s0 =	simm.s32 @!p0 $0x0  }
0x12: {  	s1 =	sld [smem:$0x3F9B];
	s0 =	simm.s32 @p0 $0x1  }
0x13: {  	[smem:$0x3FB6] =	sst s0;
	s0 =	simm.s32 @!p1 $0x0  }
0x14: {  	s2 =	sld [smem:$0x3F9A];
	s0 =	simm.s32 @p1 $0x1  }
0x15: {  	[smem:$0x3FB7] =	sst s0;
	s0 =	simm.s32 @!p2 $0x0  }
0x16: {  	s3 =	sld [smem:$0x3FDB];
	s0 =	simm.s32 @p2 $0x1  }
0x17: {  	s4 =	simm.s32 $0x1BF5;
	[smem:$0x3FB9] =	sst s0  }
0x18: {  	s0 =	sld [smem:$0x3F9C];
	_ =	swait.ge [sflag:s4], $0x0  }
0x19: {  	s7 =	sld [smem:$0x3F9D]  }
0x1a: {  	s8 =	sadd.s32 $0xFFFFE003, lr  }
0x1b: {  	s9 =	sadd.s32 $0xFFFFFEF7, lr;
	s5 =	simm.s32 $0xFFFFFFFF;
	p2 =	slt.u32 s8, $0xFFFFF086  }
0x1c: {  	p1 =	slt.u32 s9, $0xF7A;
	s5 =	simm.s32 @!p2 $0x0  }
0x1d: {  	s5 =	simm.s32 @p1 $0x1;
	p0 =	seq.s32 s7, s2  }
0x1e: {  	s7 =	smul.u32 @!p0 $0xF7A, s2;
	p2 =	seq.s32 @!p0 s5, $0x0  }
0x1f: {  	s9 =	smul.u32 $0xF7A, s1;
	s8 =	simm.s32 @!p0 $0x1BF5;
	p2 =	por !p2, p0  }
0x20: {  	[sflag:s8] =	ssyncset.s32 @!p0 $0xFFFFF086;
	s6 =	sadd.s32 @!p0 s3, s7;
	s7 =	simm.s32 @!p0 $0x108  }
0x21: {  	s3 =	sadd.s32 s3, s9;
	s6 =	sadd.s32 @!p0 $0x88, s6;
	s7 =	simm.s32 @p2 $0x1082  }
0x22: {  	[simem:s7], [sflag:s8] =	dma.local @!p0 [hbm:s6], $0xF7A  }
0x23: {  	s9 =	sor.u32 $0xD0000000, s2;
	s6 =	simm.s32 $0x108;
	_ =	swait.ge @!p0 [sflag:s8], $0x0  }
0x24: {  	s3 =	sadd.s32 $0x88, s3;
	s6 =	simm.s32 @!p1 $0x1082;
	[sflag:s4] =	ssyncset.s32 $0xFFFFF086  }
0x25: {  	[simem:s6], [sflag:s4] =	dma.local [hbm:s3], $0xF7A  }
0x26: {  	[smem:$0x3F9D] =	sst s1;
	(tag) =	ssettag s2;
	_ =	strace s9  }
0x27: {  	s1 =	sld [smem:$0x3FAD]  }
0x28: {  	s2 =	sld [smem:$0x3FAE]  }
0x29: {  	s4 =	sld [smem:$0x3FB0]  }
0x2a: {  	p0 =	seq.s32 s5, $0x0;
	s5 =	sld [smem:$0x3FB1]  }
0x2b: {  	s6 =	sld [smem:$0x3FB2]  }
0x2c: {  	s7 =	sld [smem:$0x3FB3]  }
0x2d: {  	s3 =	simm.s32 $0x108;
	s8 =	sld [smem:$0x3FB4]  }
0x2e: {  	s3 =	simm.s32 @!p0 $0x1082;
	s9 =	sld [smem:$0x3FB5]  }
0x2f: {  	lr =	sadd.s32 s0, s3;
	s0 =	sld [smem:$0x3FAC]  }
0x30: {  	s3 =	sld [smem:$0x3FAF]  }
0x31: {  	[smem:$0x3FB8] =	sst s10  }
0x32: {  	s10 =	sld [smem:$0x3FB6];
	_ =	sdelay $0x3  }
0x33: {  	p0 =	seq.s32 s10, $0x1;
	s10 =	sld [smem:$0x3FB8];
	_ =	sdelay $0x3  }
0x34: {  	[smem:$0x3FB8] =	sst s10  }
0x35: {  	s10 =	sld [smem:$0x3FB7];
	_ =	sdelay $0x3  }
0x36: {  	p1 =	seq.s32 s10, $0x1;
	s10 =	sld [smem:$0x3FB8];
	_ =	sdelay $0x3  }
0x37: {  	[smem:$0x3FB8] =	sst s10  }
0x38: {  	s10 =	sld [smem:$0x3FB9]  }
0x39: {  	_ = 	snop;
	(pc) =	sbr.ind lr, $3  }
0x3a: {  	_ = 	snop  }
0x3b: {  	_ = 	snop  }
0x3c: {  	p2 =	seq.s32 s10, $0x1;
	s10 =	sld [smem:$0x3FB8]  }
0x3d: {  	_ =	shalt  }
0x3e: {  	_ =	shalt  }
0x3f: {  	_ =	shalt  }
0x40: {  	_ =	shalt  }
0x41: {  	_ =	shalt  }
0x42: {  	_ =	shalt  }
0x43: {  	_ =	shalt  }
0x44: {  	_ =	shalt  }
0x45: {  	_ =	shalt  }
0x46: {  	_ =	shalt  }
0x47: {  	_ =	shalt  }
0x48: {  	_ =	shalt  }
0x49: {  	_ =	shalt  }
0x4a: {  	_ =	shalt  }
0x4b: {  	_ =	shalt  }
0x4c: {  	_ =	shalt  }
0x4d: {  	_ =	shalt  }
0x4e: {  	_ =	shalt  }
0x4f: {  	_ =	shalt  }
0x50: {  	_ =	shalt  }
0x51: {  	_ =	shalt  }
0x52: {  	_ =	shalt  }
0x53: {  	_ =	shalt  }
0x54: {  	_ =	shalt  }
0x55: {  	_ =	shalt  }
0x56: {  	_ =	shalt  }
0x57: {  	_ =	shalt  }
0x58: {  	_ =	shalt  }
0x59: {  	_ =	shalt  }
0x5a: {  	_ =	shalt  }
0x5b: {  	_ =	shalt  }
0x5c: {  	_ =	shalt  }
0x5d: {  	_ =	shalt  }
0x5e: {  	_ =	shalt  }
0x5f: {  	_ =	shalt  }
0x60: {  	_ =	shalt  }
0x61: {  	_ =	shalt  }
0x62: {  	_ =	shalt  }
0x63: {  	_ =	shalt  }
0x64: {  	_ =	shalt  }
0x65: {  	_ =	shalt  }
0x66: {  	_ =	shalt  }
0x67: {  	_ =	shalt  }
0x68: {  	_ =	shalt  }
0x69: {  	_ =	shalt  }
0x6a: {  	_ =	shalt  }
0x6b: {  	_ =	shalt  }
0x6c: {  	_ =	shalt  }
0x6d: {  	_ =	shalt  }
0x6e: {  	_ =	shalt  }
0x6f: {  	_ =	shalt  }
0x70: {  	_ =	shalt  }
0x71: {  	_ =	shalt  }
0x72: {  	_ =	shalt  }
0x73: {  	_ =	shalt  }
0x74: {  	_ =	shalt  }
0x75: {  	_ =	shalt  }
0x76: {  	_ =	shalt  }
0x77: {  	_ =	shalt  }
0x78: {  	_ =	shalt  }
0x79: {  	_ =	shalt  }
0x7a: {  	_ =	shalt  }
0x7b: {  	_ =	shalt  }
0x7c: {  	_ =	shalt  }
0x7d: {  	_ =	shalt  }
0x7e: {  	_ =	shalt  }
0x7f: {  	_ =	shalt  }
0x80: {  	_ =	shalt  }
0x81: {  	_ =	shalt  }
0x82: {  	_ =	shalt  }
0x83: {  	_ =	shalt  }
0x84: {  	_ =	shalt  }
0x85: {  	_ =	shalt  }
0x86: {  	_ =	shalt  }
0x87: {  	_ =	shalt  }
.Lfunc_end0:
.L_simem_size_0:
called_computation.1_lowered:
.L_overlay_start_0:
0x88: {  	s2 =	sld [smem:$0x3FD9]  }
0x89: {  	s3 =	sld [smem:$0x3FFE];
	_ =	sdelay $0x1  }
0x8a: {  	s1 =	srdreg.scid  }
0x8b: {  	s0 =	sand.u32 $0x1, s1  }
0x8c: {  	s17 =	sshll.u32 s0, $0xA;
	s2 =	sadd.s32 s3, s2  }
0x8d: {  	s2 =	sadd.s32 s2, s17  }
0x8e: {  	[smem:$0x3FC4] =	sst s2  }
0x8f: {  	_ = 	snop  }
0x90: {  	s2 =	sld [smem:$0x3FD0];
	(tm) =	ssettm $0x1  }
0x91: {  	s18 =	sld [smem:$0x3FFB];
	_ =	sdelay $0x3  }
0x92: {  	_ =	strace s18  }
0x93: {  	s3 =	sld [smem:$0x3FFC];
	_ =	sdelay $0x3  }
0x94: {  	_ =	strace s3  }
0x95: {  	s3 =	sld [smem:$0x3FFD];
	_ =	sdelay $0x3  }
0x96: {  	_ =	strace s3  }
0x97: {  	_ =	strace $0x8FFFFFFF  }
0x98: {  	s19 =	sld [smem:$0x3FDB];
	_ =	sdelay $0x1  }
0x99: {  	s4 =	simm.s32 $_scs_section_size  }
0x9a: {  	s5 =	simm.s32 $_size__tile_overlayer_lowered;
	s6 =	simm.s32 $_tile_overlayer_lowered  }
0x9b: {  	s22 =	simm.s32 $0x1BFF;
	s21 =	sshll.u32 s6, $0x1;
	s3 =	sadd.s32 s4, s19  }
0x9c: {  	s7 =	simm.s32 $0x0;
	s20 =	sshll.u32 s5, $0x1;
	s5 =	sadd.s32 s21, s3  }
0x9d: {  	[timem:s7], [sflag:s22] =	dma.local [hbm:s5], s20  }
0x9e: {  	_ =	swait.ge [sflag:s22], s20  }
0x9f: {  	s4 =	ssub.s32 $0x0, s20;
	[sflag:s22] =	ssyncset.done $0x0  }
0xa0: {  	[sflag:s22] =	ssyncadd.s32 s4;
	_ =	sdelay $0x1  }
0xa1: {  	s23 =	simm.s32 $0x1B8B  }
0xa2: {  	_ =	swait.ge [sflag:s23], $0x1  }
0xa3: {  	[sflag:s23] =	ssyncset.done $0x0  }
0xa4: {  	s25 =	simm.s32 $0x1B8E;
	s24 =	sld [smem:$0x3FFE];
	[sflag:s23] =	ssyncadd.s32 $0xFFFFFFFF  }
0xa5: {  	s26 =	simm.s32 $execute0_lowered;
	[smem:$0x3FD2] =	sst s25  }
0xa6: {  	s5 =	sshll.u32 s26, $0x1;
	_ =	strace $0x80000049;
	[dreg:$0x1] =	wrdreg $0xFFFFFFFF  }
0xa7: {  	s28 =	simm.s32 $_size_execute0_lowered;
	s3 =	sadd.s32 s3, s5;
	[dreg:$0x0] =	wrdreg $0x0  }
0xa8: {  	s5 =	sshll.u32 s28, $0x1;
	[dreg:$0x2] =	wrdreg s3  }
0xa9: {  	[dreg:$0x3] =	wrdreg s5  }
0xaa: {  	[dreg:$0x4] =	wrdreg $0xC0  }
0xab: {  	_ =	task [dreg:s7], $0x5FFFF  }
0xac: {  	[dreg:$0x1] =	wrdreg $0xFFFFFFFF  }
0xad: {  	[dreg:$0x0] =	wrdreg $0x60  }
0xae: {  	[dreg:$0x2] =	wrdreg s2  }
0xaf: {  	[dreg:$0x3] =	wrdreg s24  }
0xb0: {  	[dreg:$0x4] =	wrdreg $0x0  }
0xb1: {  	[dreg:$0x5] =	wrdreg $0x9  }
0xb2: {  	_ =	task.clear_ibuf [dreg:s7], $0x6FFFF;
	_ =	strace $0x90000049  }
0xb3: {  	s29 =	simm.s32 $0x9;
	_ =	strace $0x8000004B  }
0xb4: {  	_ =	swait.ge [sflag:s29], $0x1  }
0xb5: {  	[sflag:s29] =	ssyncadd.s32 $0xFFFFFFFF  }
0xb6: {  	_ =	strace $0x9000004B  }
0xb7: {  	_ =	sfence  }
0xb8: {  	s30 =	sld [smem:$0x0];
	_ =	sdelay $0x2  }
0xb9: {  	s31 =	sshll.u32 s1, $0xD;
	s1 =	sshrl.u32 s1, $0x2  }
0xba: {  	s3 =	sand.u32 $0x4000, s31;
	s1 =	sadd.s32 s1, s30  }
0xbb: {  	s0 =	sor.u32 s3, s0;
	s1 =	sshll.u32 s1, $0x11  }
0xbc: {  	s0 =	sor.u32 s1, s0  }
0xbd: {  	s0 =	sadd.s32 $0x8F2B, s0  }
0xbe: {  	[sflag:s0] =	ssyncadd.remote.s32 $0x1  }
0xbf: {  	_ =	sfence.sel $0xFFFF  }
0xc0: {  	[dreg:$0x0] =	wrdreg $0xFFFFFFFF;
	(pc) =	sbr.abs _section_cstart, $3  }
0xc1: {  	[dreg:$0x1] =	wrdreg $0xFFFFFFFF  }
0xc2: {  	_ =	task.clear_ibuf [dreg:s7], $0x2FFFF;
	_ =	strace $0x9FFFFFFF  }
0xc3: {  	(tm) =	ssettm $0x7FFFFFFF  }
tec
execute0_lowered:
.L_overlay_start_1:
0x0: {  	(tag) =	ssettag $0x1  }
0x1: {  	s1 =	rddreg [dreg:$0x0]  }
0x2: {  	s0 =	rddreg [dreg:$0x1]  }
0x3: {  	s3 =	rddreg [dreg:$0x2];
	s4 =	simm.s32 $0x0;
	s10 =	stileid.u32  }
0x4: {  	s2 =	srdreg.scid;
	s28 =	simm.s32 $0x6;
	s5 =	smul.u32 $0x13C00, s10  }
0x5: {  	s29 =	simm.s32 $0x0;
	[smem:$0x7FF] =	sst s4;
	s8 =	smul.u32 $0x4F000, s10  }
0x6: {  	s2 =	sand.u32 $0x1, s2;
	s12 =	sadd.s32 $0x79C00, s0;
	s9 =	smul.u32 $0xA000, s10  }
0x7: {  	s14 =	sshll.u32 s10, $0x6;
	_ =	strace $0x8000004A;
	s6 =	smul.u32 $0x13C000, s2  }
0x8: {  	s26 =	smul.u32 $0xA0000, s2;
	s2 =	ssub.s32 $0x2, s2;
	s7 =	sshrl.u32 s5, $0x3  }
0x9: {  	s30 =	sshrl.u32 s2, $0x1;
	s8 =	sshrl.u32 s8, $0x2;
	s7 =	sadd.s32 s7, s0  }
0xa: {  	s5 =	sadd.s32 s5, s6;
	s2 =	ssub.s32 s2, s30;
	s31 =	sadd.s32 s8, s3  }
0xb: {  	s11 =	sadd.s32 s9, s26;
	s6 =	sor.u32 $0x1C09, s14;
	s26 =	simm.s32 $0x13C80  }
0xc: {  	s30 =	simm.s32 $0x13D80;
	s5 =	sshrl.u32 s5, $0x3;
	s13 =	sadd.s32 $0x3400, s7  }
0xd: {  	s15 =	sshrl.u32 s11, $0x3;
	s16 =	sor.u32 $0x600, s11;
	s20 =	sor.u32 $0x500, s11  }
0xe: {  	s22 =	sor.u32 $0x400, s11;
	s11 =	sor.u32 $0x300, s11;
	[dreg:$0x8] =	wrdreg s26  }
0xf: {  	[dreg:$0x9] =	wrdreg s30;
	s26 =	simm.s32 $0x8;
	s0 =	sadd.s32 s5, s0  }
0x10: {  	[dreg:$0xb] =	wrdreg s13;
	s7 =	sadd.s32 s12, s15;
	s13 =	sshrl.u32 s16, $0x3  }
0x11: {  	s21 =	sshrl.u32 s20, $0x3;
	s24 =	sshrl.u32 s11, $0x3;
	s11 =	smax.u32 s2, $0x1  }
0x12: {  	s15 =	simm.s32 $0x13D00;
	s16 =	simm.s32 $0x13E00;
	s17 =	sadd.s32 $0x20, s7  }
0x13: {  	s20 =	simm.s32 $0x16000;
	s18 =	sadd.s32 $0x40, s7;
	[dreg:$0xc] =	wrdreg s17  }
0x14: {  	s0 =	sadd.s32 $0xA1C00, s0;
	s19 =	sadd.s32 s13, s12;
	[dreg:$0xd] =	wrdreg s18  }
0x15: {  	s13 =	sshrl.u32 s22, $0x3;
	s25 =	sadd.s32 s24, s12;
	[dreg:$0xe] =	wrdreg s0  }
0x16: {  	s22 =	simm.s32 $0x1;
	s24 =	simm.s32 $0x5;
	[dreg:$0x4] =	wrdreg s19  }
0x17: {  	s0 =	sadd.s32 s21, s12;
	s23 =	sadd.s32 s13, s12;
	[dreg:$0x7] =	wrdreg s25  }
0x18: {  	s12 =	sshrl.u32 s31, $0x3;
	s13 =	simm.s32 $0x9;
	s17 =	simm.s32 $0x40  }
0x19: {  	s18 =	simm.s32 $0x14000;
	s19 =	simm.s32 $0x4;
	[dreg:$0x5] =	wrdreg s0  }
0x1a: {  	s21 =	simm.s32 $0x13F00;
	s31 =	simm.s32 $0x13F80;
	[dreg:$0x6] =	wrdreg s23  }
0x1b: {  	s25 =	simm.s32 $0x2;
	s23 =	simm.s32 $0x7;
	[dreg:$0xa] =	wrdreg s31  }
.LBB2_1:
0x1c: {  	s0 =	rddreg [dreg:$0xb]  }
0x1d: {  	[spmem:s12], [sflag:s6] =	dma.local [hbm:s0], $0x2780  }
0x1e: {  	_ =	swait.ge [sflag:s13], $0x2780  }
0x1f: {  	[sflag:s13] =	ssyncset.done $0x0  }
0x20: {  	s2 =	simm.s32 $0x13C00;
	[sflag:s13] =	ssyncadd.s32 $0xFFFFD880  }
0x21: {  	[tilespmem:s2], [sflag:$0x9] =	stream.linear.gather [hbm4b:s7+s4], $0x100, $0x38;
	[tilespmem:$0x18000] =	vst v63  }
0x22: {  	_ =	swait.ge [sflag:s13], $0x100  }
0x23: {  	[sflag:s13] =	ssyncset.done $0x0  }
0x24: {  	p0 =	por $0x1, $0x1;
	s5 =	rddreg [dreg:$0xc];
	[sflag:s13] =	ssyncadd.s32 $0xFFFFFF00  }
0x25: {  	[tilespmem:s15], [sflag:$0x4] =	stream.linear.gather [hbm4b:s5+s4], $0x100, $0x38;
	[tilespmem:$0x18000] =	vst v63  }
0x26: {  	p0 =	por p0, p0;
	s8 =	rddreg [dreg:$0xd]  }
0x27: {  	[tilespmem:s16], [sflag:$0x5] =	stream.linear.gather [hbm4b:s8+s4], $0x100, $0x38;
	[tilespmem:$0x18000] =	vst v63  }
0x28: {  	s0 =	simm.s32 @!p0 $0x8;
	[bflag:$0x0] =	sbarrier.arrive $0xFFFF  }
0x29: {  	[tilespmem:s18], [sflag:$0x1] =	stream.indirect.gather [hbm4b:s1+s17], $0x80, s2, s17, $0xb8;
	[tilespmem:$0x18000] =	vst v63  }
0x2a: {  	_ =	swait.ge @!p0 [sflag:s0], $0x2000  }
0x2b: {  	[sflag:s0] =	ssyncset.done @!p0 $0x0  }
0x2c: {  	[sflag:s0] =	ssyncadd.s32 @!p0 $0xFFFFE000  }
0x2d: {  	_ =	swait.ge [sflag:s19], $0x100  }
0x2e: {  	[sflag:s19] =	ssyncset.done $0x0  }
0x2f: {  	s9 =	rddreg [dreg:$0x7];
	[sflag:s19] =	ssyncadd.s32 $0xFFFFFF00  }
0x30: {  	[tilespmem:s20], [sflag:$0x2] =	stream.indirect.gather [hbm4b:s1+s17], $0x80, s15, s17, $0xb8;
	[tilespmem:$0x18000] =	vst v63  }
0x31: {  	s0 =	sadd.s32 $0x0, s9  }
0x32: {  	[tilespmem:s21], [sflag:$0x6] =	stream.linear.gather [hbm4b:s0+s4], $0x100, $0x38;
	[tilespmem:$0x18000] =	vst v63  }
0x33: {  	_ =	swait.ge [sflag:s22], $0x2000  }
0x34: {  	[sflag:s22] =	ssyncset.done $0x0  }
0x35: {  	s10 =	rddreg [dreg:$0x8];
	[sflag:s22] =	ssyncadd.s32 $0xFFFFE000  }
0x36: {  	[spmem:s3] =	stream.indirect.scatter.add.f32 [tilespmem:s18], [sflag:$0x7], $0x80, s10, s17, $0xb8;
	[tilespmem:$0x18000] =	vst v63  }
0x37: {  	_ =	swait.ge [sflag:s23], $0x2000  }
0x38: {  	[sflag:s23] =	ssyncset.done $0x0  }
0x39: {  	[sflag:s23] =	ssyncadd.s32 $0xFFFFE000  }
0x3a: {  	_ =	swait.ge [sflag:s24], $0x100  }
0x3b: {  	[sflag:s24] =	ssyncset.done $0x0  }
0x3c: {  	p0 =	por $0x0, $0x0;
	s0 =	rddreg [dreg:$0x6];
	[sflag:s24] =	ssyncadd.s32 $0xFFFFFF00  }
0x3d: {  	[tilespmem:s18], [sflag:$0x1] =	stream.indirect.gather [hbm4b:s1+s17], $0x80, s16, s17, $0xb8;
	[tilespmem:$0x18000] =	vst v63  }
0x3e: {  	s2 =	simm.s32 @!p0 $0x0;
	s5 =	simm.s32 @!p0 $0x13C00;
	s0 =	sadd.s32 @!p0 $0x0, s0  }
0x3f: {  	[tilespmem:s5], [sflag:$0x3] =	stream.linear.gather @!p0 [hbm4b:s0+s2], $0x100, $0x38;
	[tilespmem:$0x18000] =	vst v63  }
0x40: {  	_ =	swait.ge [sflag:s25], $0x2000  }
0x41: {  	[sflag:s25] =	ssyncset.done $0x0  }
0x42: {  	s14 =	rddreg [dreg:$0x9];
	[sflag:s25] =	ssyncadd.s32 $0xFFFFE000  }
0x43: {  	[spmem:s3] =	stream.indirect.scatter.add.f32 [tilespmem:s20], [sflag:$0x8], $0x80, s14, s17, $0xb8;
	[tilespmem:$0x18000] =	vst v63  }
0x44: {  	_ =	swait.ge [sflag:s26], $0x2000  }
0x45: {  	[sflag:s26] =	ssyncset.done $0x0  }
0x46: {  	[sflag:s26] =	ssyncadd.s32 $0xFFFFE000  }
0x47: {  	_ =	swait.ge [sflag:s28], $0x100  }
0x48: {  	[sflag:s28] =	ssyncset.done $0x0  }
0x49: {  	s0 =	simm.s32 @p0 $0x1;
	[sflag:s28] =	ssyncadd.s32 $0xFFFFFF00  }
0x4a: {  	[tilespmem:s20], [sflag:$0x2] =	stream.indirect.gather [hbm4b:s1+s17], $0x80, s21, s17, $0xb8;
	[tilespmem:$0x18000] =	vst v63  }
0x4b: {  	_ =	swait.ge @p0 [sflag:s0], $0x2000  }
0x4c: {  	s30 =	simm.s32 @p0 $0x14000;
	s31 =	simm.s32 @p0 $0x7;
	[sflag:s0] =	ssyncset.done @p0 $0x0  }
0x4d: {  	s8 =	simm.s32 @p0 $0x13E80;
	[sflag:s0] =	ssyncadd.s32 @p0 $0xFFFFE000;
	s0 =	simm.s32 @p0 $0x40  }
0x4e: {  	[spmem:s3] =	stream.indirect.scatter.add.f32 @p0 [tilespmem:s30], [sflag:$0x7], $0x80, s8, s0, $0xb8;
	[tilespmem:$0x18000] =	vst v63  }
0x4f: {  	_ =	swait.ge @p0 [sflag:s31], $0x2000  }
0x50: {  	s8 =	simm.s32 @!p0 $0x1;
	s0 =	rddreg [dreg:$0x5];
	[sflag:s31] =	ssyncset.done @p0 $0x0  }
0x51: {  	s30 =	simm.s32 @!p0 $0x13D00;
	[sflag:s31] =	ssyncadd.s32 @p0 $0xFFFFE000;
	s0 =	sadd.s32 @!p0 $0x0, s0  }
0x52: {  	[tilespmem:s30], [sflag:$0x4] =	stream.linear.gather @!p0 [hbm4b:s0+s2], $0x100, $0x38;
	[tilespmem:$0x18000] =	vst v63  }
0x53: {  	_ =	swait.ge @!p0 [sflag:s8], $0x2000  }
0x54: {  	s31 =	simm.s32 @!p0 $0x13E80;
	s0 =	simm.s32 @!p0 $0x14000;
	[sflag:s8] =	ssyncset.done @!p0 $0x0  }
0x55: {  	s30 =	simm.s32 @!p0 $0x7;
	[sflag:s8] =	ssyncadd.s32 @!p0 $0xFFFFE000;
	s8 =	simm.s32 @!p0 $0x40  }
0x56: {  	[spmem:s3] =	stream.indirect.scatter.add.f32 @!p0 [tilespmem:s0], [sflag:$0x7], $0x80, s31, s8, $0xb8;
	[tilespmem:$0x18000] =	vst v63  }
0x57: {  	_ =	swait.ge @!p0 [sflag:s30], $0x2000  }
0x58: {  	[sflag:s30] =	ssyncset.done @!p0 $0x0  }
0x59: {  	[sflag:s30] =	ssyncadd.s32 @!p0 $0xFFFFE000;
	s30 =	simm.s32 @!p0 $0x3  }
0x5a: {  	_ =	swait.ge @!p0 [sflag:s30], $0x100  }
0x5b: {  	[sflag:s30] =	ssyncset.done @!p0 $0x0  }
0x5c: {  	s31 =	rddreg [dreg:$0x4];
	[sflag:s30] =	ssyncadd.s32 @!p0 $0xFFFFFF00  }
0x5d: {  	[tilespmem:s0], [sflag:$0x1] =	stream.indirect.gather @!p0 [hbm4b:s1+s8], $0x80, s5, s8, $0xb8;
	[tilespmem:$0x18000] =	vst v63  }
0x5e: {  	s0 =	sadd.s32 @!p0 $0x0, s31;
	s5 =	simm.s32 @!p0 $0x13E00  }
0x5f: {  	[tilespmem:s5], [sflag:$0x5] =	stream.linear.gather @!p0 [hbm4b:s0+s2], $0x100, $0x38;
	[tilespmem:$0x18000] =	vst v63  }
0x60: {  	p6 =	por $0x0, $0x0;
	_ =	swait.ge [sflag:s25], $0x2000  }
0x61: {  	s30 =	simm.s32 $0x80;
	s31 =	simm.s32 $0x100;
	[sflag:s25] =	ssyncset.done $0x0  }
0x62: {  	p0 =	por p6, p6;
	s0 =	rddreg [dreg:$0xa];
	[sflag:s25] =	ssyncadd.s32 $0xFFFFE000  }
.LBB2_2:
0x63: {  	[spmem:s3] =	stream.indirect.scatter.add.f32 [tilespmem:s20], [sflag:$0x8], $0x80, s0, s17, $0xb8;
	[tilespmem:$0x18000] =	vst v63  }
0x64: {  	s2 =	simm.s32 @!p0 $0x8  }
0x65: {  	_ =	swait.ge @!p0 [sflag:s2], $0x2000  }
0x66: {  	[sflag:s2] =	ssyncset.done @!p0 $0x0  }
0x67: {  	[sflag:s2] =	ssyncadd.s32 @!p0 $0xFFFFE000  }
0x68: {  	_ =	swait.ge [sflag:s19], $0x100  }
0x69: {  	[sflag:s19] =	ssyncset.done $0x0  }
0x6a: {  	s9 =	rddreg [dreg:$0x7];
	[sflag:s19] =	ssyncadd.s32 $0xFFFFFF00  }
0x6b: {  	[tilespmem:s20], [sflag:$0x2] =	stream.indirect.gather [hbm4b:s1+s17], $0x80, s15, s17, $0xb8;
	[tilespmem:$0x18000] =	vst v63  }
0x6c: {  	s2 =	sadd.s32 s30, s9  }
0x6d: {  	[tilespmem:s21], [sflag:$0x6] =	stream.linear.gather [hbm4b:s2+s4], $0x100, $0x38;
	[tilespmem:$0x18000] =	vst v63  }
0x6e: {  	_ =	swait.ge [sflag:s22], $0x2000  }
0x6f: {  	[sflag:s22] =	ssyncset.done $0x0  }
0x70: {  	s10 =	rddreg [dreg:$0x8];
	[sflag:s22] =	ssyncadd.s32 $0xFFFFE000  }
0x71: {  	[spmem:s3] =	stream.indirect.scatter.add.f32 [tilespmem:s18], [sflag:$0x7], $0x80, s10, s17, $0xb8;
	[tilespmem:$0x18000] =	vst v63  }
0x72: {  	_ =	swait.ge [sflag:s23], $0x2000  }
0x73: {  	[sflag:s23] =	ssyncset.done $0x0  }
0x74: {  	s0 =	smov.u32 s31;
	[sflag:s23] =	ssyncadd.s32 $0xFFFFE000  }
0x75: {  	p2 =	seq.s32 s0, $0x0;
	_ =	swait.ge [sflag:s24], $0x100  }
0x76: {  	p0 =	por p2, p2;
	[sflag:s24] =	ssyncset.done $0x0  }
0x77: {  	p2 =	seq.s32 s30, $0x1380;
	s2 =	rddreg [dreg:$0x6];
	[sflag:s24] =	ssyncadd.s32 $0xFFFFFF00  }
0x78: {  	[tilespmem:s18], [sflag:$0x1] =	stream.indirect.gather [hbm4b:s1+s17], $0x80, s16, s17, $0xb8;
	[tilespmem:$0x18000] =	vst v63  }
0x79: {  	s5 =	simm.s32 @!p2 $0x13C00;
	s8 =	sadd.s32 @!p2 s30, s2;
	s2 =	simm.s32 @!p2 $0x0  }
0x7a: {  	[tilespmem:s5], [sflag:$0x3] =	stream.linear.gather @!p2 [hbm4b:s8+s2], $0x100, $0x38;
	[tilespmem:$0x18000] =	vst v63  }
0x7b: {  	_ =	swait.ge [sflag:s25], $0x2000  }
0x7c: {  	[sflag:s25] =	ssyncset.done $0x0  }
0x7d: {  	s14 =	rddreg [dreg:$0x9];
	[sflag:s25] =	ssyncadd.s32 $0xFFFFE000  }
0x7e: {  	[spmem:s3] =	stream.indirect.scatter.add.f32 [tilespmem:s20], [sflag:$0x8], $0x80, s14, s17, $0xb8;
	[tilespmem:$0x18000] =	vst v63  }
0x7f: {  	_ =	swait.ge [sflag:s26], $0x2000  }
0x80: {  	[sflag:s26] =	ssyncset.done $0x0  }
0x81: {  	[sflag:s26] =	ssyncadd.s32 $0xFFFFE000  }
0x82: {  	_ =	swait.ge [sflag:s28], $0x100  }
0x83: {  	[sflag:s28] =	ssyncset.done $0x0  }
0x84: {  	s8 =	simm.s32 @p2 $0x1;
	[sflag:s28] =	ssyncadd.s32 $0xFFFFFF00  }
0x85: {  	[tilespmem:s20], [sflag:$0x2] =	stream.indirect.gather [hbm4b:s1+s17], $0x80, s21, s17, $0xb8;
	[tilespmem:$0x18000] =	vst v63  }
0x86: {  	_ =	swait.ge @p2 [sflag:s8], $0x2000  }
0x87: {  	s9 =	simm.s32 @p2 $0x14000;
	s10 =	simm.s32 @p2 $0x7;
	[sflag:s8] =	ssyncset.done @p2 $0x0  }
0x88: {  	s14 =	simm.s32 @p2 $0x13E80;
	[sflag:s8] =	ssyncadd.s32 @p2 $0xFFFFE000;
	s8 =	simm.s32 @p2 $0x40  }
0x89: {  	[spmem:s3] =	stream.indirect.scatter.add.f32 @p2 [tilespmem:s9], [sflag:$0x7], $0x80, s14, s8, $0xb8;
	[tilespmem:$0x18000] =	vst v63  }
0x8a: {  	_ =	swait.ge @p2 [sflag:s10], $0x2000  }
0x8b: {  	s9 =	simm.s32 @!p2 $0x1;
	s8 =	rddreg [dreg:$0x5];
	[sflag:s10] =	ssyncset.done @p2 $0x0  }
0x8c: {  	[sflag:s10] =	ssyncadd.s32 @p2 $0xFFFFE000;
	s8 =	sadd.s32 @!p2 s30, s8;
	s10 =	simm.s32 @!p2 $0x13D00  }
0x8d: {  	[tilespmem:s10], [sflag:$0x4] =	stream.linear.gather @!p2 [hbm4b:s8+s2], $0x100, $0x38;
	[tilespmem:$0x18000] =	vst v63  }
0x8e: {  	_ =	swait.ge @!p2 [sflag:s9], $0x2000  }
0x8f: {  	s14 =	simm.s32 @!p2 $0x13E80;
	s8 =	simm.s32 @!p2 $0x14000;
	[sflag:s9] =	ssyncset.done @!p2 $0x0  }
0x90: {  	s10 =	simm.s32 @!p2 $0x7;
	[sflag:s9] =	ssyncadd.s32 @!p2 $0xFFFFE000;
	s9 =	simm.s32 @!p2 $0x40  }
0x91: {  	[spmem:s3] =	stream.indirect.scatter.add.f32 @!p2 [tilespmem:s8], [sflag:$0x7], $0x80, s14, s9, $0xb8;
	[tilespmem:$0x18000] =	vst v63  }
0x92: {  	_ =	swait.ge @!p2 [sflag:s10], $0x2000  }
0x93: {  	[sflag:s10] =	ssyncset.done @!p2 $0x0  }
0x94: {  	[sflag:s10] =	ssyncadd.s32 @!p2 $0xFFFFE000;
	s10 =	simm.s32 @!p2 $0x3  }
0x95: {  	_ =	swait.ge @!p2 [sflag:s10], $0x100  }
0x96: {  	s31 =	sadd.s32 $0x80, s31;
	[sflag:s10] =	ssyncset.done @!p2 $0x0  }
0x97: {  	p1 =	sne.s32 s31, $0x1400;
	s14 =	rddreg [dreg:$0x4];
	[sflag:s10] =	ssyncadd.s32 @!p2 $0xFFFFFF00  }
0x98: {  	[tilespmem:s8], [sflag:$0x1] =	stream.indirect.gather @!p2 [hbm4b:s1+s9], $0x80, s5, s9, $0xb8;
	[tilespmem:$0x18000] =	vst v63  }
.Ltmp0:
0x99: {  	s5 =	sadd.s32 @!p2 s30, s14;
	s8 =	simm.s32 @!p2 $0x13E00;
	(pc) =	sbr.rel @p1 .LBB2_2-.Ltmp0, $4  }
0x9a: {  	[tilespmem:s8], [sflag:$0x5] =	stream.linear.gather @!p2 [hbm4b:s5+s2], $0x100, $0x38;
	[tilespmem:$0x18000] =	vst v63  }
0x9b: {  	_ =	swait.ge [sflag:s25], $0x2000  }
0x9c: {  	[sflag:s25] =	ssyncset.done $0x0  }
0x9d: {  	s30 =	smov.u32 s0;
	s0 =	rddreg [dreg:$0xa];
	[sflag:s25] =	ssyncadd.s32 $0xFFFFE000  }
0x9e: {  	[spmem:s3] =	stream.indirect.scatter.add.f32 [tilespmem:s20], [sflag:$0x8], $0x80, s0, s17, $0xb8;
	[tilespmem:$0x18000] =	vst v63  }
0x9f: {  	s0 =	simm.s32 @!p0 $0x8  }
0xa0: {  	_ =	swait.ge @!p0 [sflag:s0], $0x2000  }
0xa1: {  	[sflag:s0] =	ssyncset.done @!p0 $0x0  }
0xa2: {  	[sflag:s0] =	ssyncadd.s32 @!p0 $0xFFFFE000  }
0xa3: {  	_ =	swait.ge [sflag:s19], $0x100  }
0xa4: {  	[sflag:s19] =	ssyncset.done $0x0  }
0xa5: {  	s9 =	rddreg [dreg:$0x7];
	[sflag:s19] =	ssyncadd.s32 $0xFFFFFF00  }
0xa6: {  	[tilespmem:s20], [sflag:$0x2] =	stream.indirect.gather [hbm4b:s1+s17], $0x80, s15, s17, $0xb8;
	[tilespmem:$0x18000] =	vst v63  }
0xa7: {  	s0 =	sadd.s32 s30, s9  }
0xa8: {  	[tilespmem:s21], [sflag:$0x6] =	stream.linear.gather [hbm4b:s0+s4], $0x100, $0x38;
	[tilespmem:$0x18000] =	vst v63  }
0xa9: {  	_ =	swait.ge [sflag:s22], $0x2000  }
0xaa: {  	[sflag:s22] =	ssyncset.done $0x0  }
0xab: {  	s10 =	rddreg [dreg:$0x8];
	[sflag:s22] =	ssyncadd.s32 $0xFFFFE000  }
0xac: {  	[spmem:s3] =	stream.indirect.scatter.add.f32 [tilespmem:s18], [sflag:$0x7], $0x80, s10, s17, $0xb8;
	[tilespmem:$0x18000] =	vst v63  }
0xad: {  	_ =	swait.ge [sflag:s23], $0x2000  }
0xae: {  	[sflag:s23] =	ssyncset.done $0x0  }
0xaf: {  	[sflag:s23] =	ssyncadd.s32 $0xFFFFE000  }
0xb0: {  	_ =	swait.ge [sflag:s24], $0x100  }
0xb1: {  	[sflag:s24] =	ssyncset.done $0x0  }
0xb2: {  	p0 =	seq.s32 s30, $0x1380;
	s0 =	rddreg [dreg:$0x6];
	[sflag:s24] =	ssyncadd.s32 $0xFFFFFF00  }
0xb3: {  	[tilespmem:s18], [sflag:$0x1] =	stream.indirect.gather [hbm4b:s1+s17], $0x80, s16, s17, $0xb8;
	[tilespmem:$0x18000] =	vst v63  }
0xb4: {  	s2 =	simm.s32 @!p0 $0x0;
	s5 =	simm.s32 @!p0 $0x13C00;
	s0 =	sadd.s32 @!p0 s30, s0  }
0xb5: {  	[tilespmem:s5], [sflag:$0x3] =	stream.linear.gather @!p0 [hbm4b:s0+s2], $0x100, $0x38;
	[tilespmem:$0x18000] =	vst v63  }
0xb6: {  	_ =	swait.ge [sflag:s25], $0x2000  }
0xb7: {  	[sflag:s25] =	ssyncset.done $0x0  }
0xb8: {  	s14 =	rddreg [dreg:$0x9];
	[sflag:s25] =	ssyncadd.s32 $0xFFFFE000  }
0xb9: {  	[spmem:s3] =	stream.indirect.scatter.add.f32 [tilespmem:s20], [sflag:$0x8], $0x80, s14, s17, $0xb8;
	[tilespmem:$0x18000] =	vst v63  }
0xba: {  	_ =	swait.ge [sflag:s26], $0x2000  }
0xbb: {  	[sflag:s26] =	ssyncset.done $0x0  }
0xbc: {  	[sflag:s26] =	ssyncadd.s32 $0xFFFFE000  }
0xbd: {  	_ =	swait.ge [sflag:s28], $0x100  }
0xbe: {  	[sflag:s28] =	ssyncset.done $0x0  }
0xbf: {  	s0 =	simm.s32 @p0 $0x1;
	[sflag:s28] =	ssyncadd.s32 $0xFFFFFF00  }
0xc0: {  	[tilespmem:s20], [sflag:$0x2] =	stream.indirect.gather [hbm4b:s1+s17], $0x80, s21, s17, $0xb8;
	[tilespmem:$0x18000] =	vst v63  }
0xc1: {  	_ =	swait.ge @p0 [sflag:s0], $0x2000  }
0xc2: {  	s8 =	simm.s32 @p0 $0x14000;
	s9 =	simm.s32 @p0 $0x7;
	[sflag:s0] =	ssyncset.done @p0 $0x0  }
0xc3: {  	s10 =	simm.s32 @p0 $0x13E80;
	[sflag:s0] =	ssyncadd.s32 @p0 $0xFFFFE000;
	s0 =	simm.s32 @p0 $0x40  }
0xc4: {  	[spmem:s3] =	stream.indirect.scatter.add.f32 @p0 [tilespmem:s8], [sflag:$0x7], $0x80, s10, s0, $0xb8;
	[tilespmem:$0x18000] =	vst v63  }
0xc5: {  	_ =	swait.ge @p0 [sflag:s9], $0x2000  }
0xc6: {  	s8 =	simm.s32 @!p0 $0x1;
	s0 =	rddreg [dreg:$0x5];
	[sflag:s9] =	ssyncset.done @p0 $0x0  }
0xc7: {  	[sflag:s9] =	ssyncadd.s32 @p0 $0xFFFFE000;
	s0 =	sadd.s32 @!p0 s30, s0;
	s9 =	simm.s32 @!p0 $0x13D00  }
0xc8: {  	[tilespmem:s9], [sflag:$0x4] =	stream.linear.gather @!p0 [hbm4b:s0+s2], $0x100, $0x38;
	[tilespmem:$0x18000] =	vst v63  }
0xc9: {  	_ =	swait.ge @!p0 [sflag:s8], $0x2000  }
0xca: {  	s10 =	simm.s32 @!p0 $0x13E80;
	s0 =	simm.s32 @!p0 $0x14000;
	[sflag:s8] =	ssyncset.done @!p0 $0x0  }
0xcb: {  	s9 =	simm.s32 @!p0 $0x7;
	[sflag:s8] =	ssyncadd.s32 @!p0 $0xFFFFE000;
	s8 =	simm.s32 @!p0 $0x40  }
0xcc: {  	[spmem:s3] =	stream.indirect.scatter.add.f32 @!p0 [tilespmem:s0], [sflag:$0x7], $0x80, s10, s8, $0xb8;
	[tilespmem:$0x18000] =	vst v63  }
0xcd: {  	_ =	swait.ge @!p0 [sflag:s9], $0x2000  }
0xce: {  	[sflag:s9] =	ssyncset.done @!p0 $0x0  }
0xcf: {  	[sflag:s9] =	ssyncadd.s32 @!p0 $0xFFFFE000;
	s9 =	simm.s32 @!p0 $0x3  }
0xd0: {  	_ =	swait.ge @!p0 [sflag:s9], $0x100  }
0xd1: {  	[sflag:s9] =	ssyncset.done @!p0 $0x0  }
0xd2: {  	s10 =	rddreg [dreg:$0x4];
	[sflag:s9] =	ssyncadd.s32 @!p0 $0xFFFFFF00  }
0xd3: {  	[tilespmem:s0], [sflag:$0x1] =	stream.indirect.gather @!p0 [hbm4b:s1+s8], $0x80, s5, s8, $0xb8;
	[tilespmem:$0x18000] =	vst v63  }
0xd4: {  	s0 =	sadd.s32 @!p0 s30, s10;
	s5 =	simm.s32 @!p0 $0x13E00  }
0xd5: {  	[tilespmem:s5], [sflag:$0x5] =	stream.linear.gather @!p0 [hbm4b:s0+s2], $0x100, $0x38;
	[tilespmem:$0x18000] =	vst v63  }
0xd6: {  	_ =	swait.ge [sflag:s25], $0x2000  }
0xd7: {  	[sflag:s25] =	ssyncset.done $0x0  }
0xd8: {  	s30 =	rddreg [dreg:$0xa];
	[sflag:s25] =	ssyncadd.s32 $0xFFFFE000  }
0xd9: {  	[spmem:s3] =	stream.indirect.scatter.add.f32 [tilespmem:s20], [sflag:$0x8], $0x80, s30, s17, $0xb8;
	[tilespmem:$0x18000] =	vst v63  }
0xda: {  	_ =	swait.ge [sflag:s26], $0x2000  }
0xdb: {  	[sflag:s26] =	ssyncset.done $0x0  }
0xdc: {  	s29 =	sadd.s32 $0x1, s29;
	[sflag:s26] =	ssyncadd.s32 $0xFFFFE000  }
0xdd: {  	p0 =	sne.s32 s29, s11;
	[bflag:$0x0] =	sbarrier.arrive $0xFFFF  }
.Ltmp1:
0xde: {  	s31 =	rddreg [dreg:$0xe];
	(pc) =	sbr.rel @p0 .LBB2_1-.Ltmp1, $4  }
0xdf: {  	[hbm:s31], [sflag:s6] =	dma.local [spmem:s12], $0x2780  }
0xe0: {  	_ =	swait.ge [sflag:s13], $0x2780  }
0xe1: {  	[sflag:s13] =	ssyncset.done $0x0  }
0xe2: {  	[sflag:s13] =	ssyncadd.s32 $0xFFFFD880  }
0xe3: {  	_ =	sfence.sel $0x180000  }
0xe4: {  	[bflag:$0x0] =	sbarrier.arrive $0xFFFF  }
0xe5: {  	_ =	strace $0x9000004A  }
0xe6: {  	s0 =	stileid.u32;
	[bflag:$0x2] =	sbarrier.arrive $0xFFFF  }
0xe7: {  	p0 =	sne.s32 s0, $0x0;
	s0 =	rddreg [dreg:$0x3]  }
0xe8: {  	s0 =	sadd.s32 @!p0 $0x100000, s0  }
0xe9: {  	[sflag:s0] =	ssyncadd.tile.s32 @!p0 $0x1;
	_ =	shalt  }
.Lfunc_end2:
_tile_overlayer_lowered:
.L_overlay_start_2:
0xea: {  	(tag) =	ssettag $0x2  }
0xeb: {  	s0 =	rddreg [dreg:$0x0];
	s2 =	stileid.u32  }
0xec: {  	s1 =	rddreg [dreg:$0x1];
	p0 =	sne.s32 s2, $0x0  }
0xed: {  	s3 =	rddreg [dreg:$0x2];
	[bflag:$0x3] =	sbarrier.arrive $0xFFFF;
	s2 =	simm.s32 @!p0 $0x1C09  }
0xee: {  	[timem:s3], [sflag:s2] =	dma.local @!p0 [hbm:s0], s1  }
0xef: {  	s0 =	simm.s32 @!p0 $0x9  }
0xf0: {  	_ =	swait.ge @!p0 [sflag:s0], s1  }
0xf1: {  	s1 =	ssub.s32 @!p0 $0x0, s1;
	[sflag:s0] =	ssyncset.done @!p0 $0x0  }
0xf2: {  	[sflag:s0] =	ssyncadd.s32 @!p0 s1  }
0xf3: {  	[bflag:$0x3] =	sbarrier.arrive $0xFFFF  }
0xf4: {  	_ =	shalt  }

// kernel: kernel.14.cloned.1.call-start
scs
__scs_entry_jumppad:
0x0: {  	(pc) =	sbr.rel $0x88, $3  }
0x1: {  	(tag) =	ssettag $0x0;
	lr =	simm.s32 $0x1  }
0x2: {  	[smem:$0x3F9D] =	sst lr;
	_ =	strace $0xD0000000  }
0x3: {  	_ = 	snop  }
0x4: {  	_ = 	snop  }
0x5: {  	_ = 	snop  }
0x6: {  	_ = 	snop  }
0x7: {  	_ = 	snop  }
__scs_overlays_trampoline_lowered:
0x8: {  	[smem:$0x3FAC] =	sst s0  }
0x9: {  	[smem:$0x3FAD] =	sst s1  }
0xa: {  	[smem:$0x3FAE] =	sst s2  }
0xb: {  	[smem:$0x3FAF] =	sst s3  }
0xc: {  	[smem:$0x3FB0] =	sst s4  }
0xd: {  	[smem:$0x3FB1] =	sst s5  }
0xe: {  	[smem:$0x3FB2] =	sst s6  }
0xf: {  	[smem:$0x3FB3] =	sst s7  }
0x10: {  	[smem:$0x3FB4] =	sst s8  }
0x11: {  	[smem:$0x3FB5] =	sst s9;
	s0 =	simm.s32 @!p0 $0x0  }
0x12: {  	s1 =	sld [smem:$0x3F9B];
	s0 =	simm.s32 @p0 $0x1  }
0x13: {  	[smem:$0x3FB6] =	sst s0;
	s0 =	simm.s32 @!p1 $0x0  }
0x14: {  	s2 =	sld [smem:$0x3F9A];
	s0 =	simm.s32 @p1 $0x1  }
0x15: {  	[smem:$0x3FB7] =	sst s0;
	s0 =	simm.s32 @!p2 $0x0  }
0x16: {  	s3 =	sld [smem:$0x3FDB];
	s0 =	simm.s32 @p2 $0x1  }
0x17: {  	s4 =	simm.s32 $0x1BF5;
	[smem:$0x3FB9] =	sst s0  }
0x18: {  	s0 =	sld [smem:$0x3F9C];
	_ =	swait.ge [sflag:s4], $0x0  }
0x19: {  	s7 =	sld [smem:$0x3F9D]  }
0x1a: {  	s8 =	sadd.s32 $0xFFFFE003, lr  }
0x1b: {  	s9 =	sadd.s32 $0xFFFFFEF7, lr;
	s5 =	simm.s32 $0xFFFFFFFF;
	p2 =	slt.u32 s8, $0xFFFFF086  }
0x1c: {  	p1 =	slt.u32 s9, $0xF7A;
	s5 =	simm.s32 @!p2 $0x0  }
0x1d: {  	s5 =	simm.s32 @p1 $0x1;
	p0 =	seq.s32 s7, s2  }
0x1e: {  	s7 =	smul.u32 @!p0 $0xF7A, s2;
	p2 =	seq.s32 @!p0 s5, $0x0  }
0x1f: {  	s9 =	smul.u32 $0xF7A, s1;
	s8 =	simm.s32 @!p0 $0x1BF5;
	p2 =	por !p2, p0  }
0x20: {  	[sflag:s8] =	ssyncset.s32 @!p0 $0xFFFFF086;
	s6 =	sadd.s32 @!p0 s3, s7;
	s7 =	simm.s32 @!p0 $0x108  }
0x21: {  	s3 =	sadd.s32 s3, s9;
	s6 =	sadd.s32 @!p0 $0x88, s6;
	s7 =	simm.s32 @p2 $0x1082  }
0x22: {  	[simem:s7], [sflag:s8] =	dma.local @!p0 [hbm:s6], $0xF7A  }
0x23: {  	s9 =	sor.u32 $0xD0000000, s2;
	s6 =	simm.s32 $0x108;
	_ =	swait.ge @!p0 [sflag:s8], $0x0  }
0x24: {  	s3 =	sadd.s32 $0x88, s3;
	s6 =	simm.s32 @!p1 $0x1082;
	[sflag:s4] =	ssyncset.s32 $0xFFFFF086  }
0x25: {  	[simem:s6], [sflag:s4] =	dma.local [hbm:s3], $0xF7A  }
0x26: {  	[smem:$0x3F9D] =	sst s1;
	(tag) =	ssettag s2;
	_ =	strace s9  }
0x27: {  	s1 =	sld [smem:$0x3FAD]  }
0x28: {  	s2 =	sld [smem:$0x3FAE]  }
0x29: {  	s4 =	sld [smem:$0x3FB0]  }
0x2a: {  	p0 =	seq.s32 s5, $0x0;
	s5 =	sld [smem:$0x3FB1]  }
0x2b: {  	s6 =	sld [smem:$0x3FB2]  }
0x2c: {  	s7 =	sld [smem:$0x3FB3]  }
0x2d: {  	s3 =	simm.s32 $0x108;
	s8 =	sld [smem:$0x3FB4]  }
0x2e: {  	s3 =	simm.s32 @!p0 $0x1082;
	s9 =	sld [smem:$0x3FB5]  }
0x2f: {  	lr =	sadd.s32 s0, s3;
	s0 =	sld [smem:$0x3FAC]  }
0x30: {  	s3 =	sld [smem:$0x3FAF]  }
0x31: {  	[smem:$0x3FB8] =	sst s10  }
0x32: {  	s10 =	sld [smem:$0x3FB6];
	_ =	sdelay $0x3  }
0x33: {  	p0 =	seq.s32 s10, $0x1;
	s10 =	sld [smem:$0x3FB8];
	_ =	sdelay $0x3  }
0x34: {  	[smem:$0x3FB8] =	sst s10  }
0x35: {  	s10 =	sld [smem:$0x3FB7];
	_ =	sdelay $0x3  }
0x36: {  	p1 =	seq.s32 s10, $0x1;
	s10 =	sld [smem:$0x3FB8];
	_ =	sdelay $0x3  }
0x37: {  	[smem:$0x3FB8] =	sst s10  }
0x38: {  	s10 =	sld [smem:$0x3FB9]  }
0x39: {  	_ = 	snop;
	(pc) =	sbr.ind lr, $3  }
0x3a: {  	_ = 	snop  }
0x3b: {  	_ = 	snop  }
0x3c: {  	p2 =	seq.s32 s10, $0x1;
	s10 =	sld [smem:$0x3FB8]  }
0x3d: {  	_ =	shalt  }
0x3e: {  	_ =	shalt  }
0x3f: {  	_ =	shalt  }
0x40: {  	_ =	shalt  }
0x41: {  	_ =	shalt  }
0x42: {  	_ =	shalt  }
0x43: {  	_ =	shalt  }
0x44: {  	_ =	shalt  }
0x45: {  	_ =	shalt  }
0x46: {  	_ =	shalt  }
0x47: {  	_ =	shalt  }
0x48: {  	_ =	shalt  }
0x49: {  	_ =	shalt  }
0x4a: {  	_ =	shalt  }
0x4b: {  	_ =	shalt  }
0x4c: {  	_ =	shalt  }
0x4d: {  	_ =	shalt  }
0x4e: {  	_ =	shalt  }
0x4f: {  	_ =	shalt  }
0x50: {  	_ =	shalt  }
0x51: {  	_ =	shalt  }
0x52: {  	_ =	shalt  }
0x53: {  	_ =	shalt  }
0x54: {  	_ =	shalt  }
0x55: {  	_ =	shalt  }
0x56: {  	_ =	shalt  }
0x57: {  	_ =	shalt  }
0x58: {  	_ =	shalt  }
0x59: {  	_ =	shalt  }
0x5a: {  	_ =	shalt  }
0x5b: {  	_ =	shalt  }
0x5c: {  	_ =	shalt  }
0x5d: {  	_ =	shalt  }
0x5e: {  	_ =	shalt  }
0x5f: {  	_ =	shalt  }
0x60: {  	_ =	shalt  }
0x61: {  	_ =	shalt  }
0x62: {  	_ =	shalt  }
0x63: {  	_ =	shalt  }
0x64: {  	_ =	shalt  }
0x65: {  	_ =	shalt  }
0x66: {  	_ =	shalt  }
0x67: {  	_ =	shalt  }
0x68: {  	_ =	shalt  }
0x69: {  	_ =	shalt  }
0x6a: {  	_ =	shalt  }
0x6b: {  	_ =	shalt  }
0x6c: {  	_ =	shalt  }
0x6d: {  	_ =	shalt  }
0x6e: {  	_ =	shalt  }
0x6f: {  	_ =	shalt  }
0x70: {  	_ =	shalt  }
0x71: {  	_ =	shalt  }
0x72: {  	_ =	shalt  }
0x73: {  	_ =	shalt  }
0x74: {  	_ =	shalt  }
0x75: {  	_ =	shalt  }
0x76: {  	_ =	shalt  }
0x77: {  	_ =	shalt  }
0x78: {  	_ =	shalt  }
0x79: {  	_ =	shalt  }
0x7a: {  	_ =	shalt  }
0x7b: {  	_ =	shalt  }
0x7c: {  	_ =	shalt  }
0x7d: {  	_ =	shalt  }
0x7e: {  	_ =	shalt  }
0x7f: {  	_ =	shalt  }
0x80: {  	_ =	shalt  }
0x81: {  	_ =	shalt  }
0x82: {  	_ =	shalt  }
0x83: {  	_ =	shalt  }
0x84: {  	_ =	shalt  }
0x85: {  	_ =	shalt  }
0x86: {  	_ =	shalt  }
0x87: {  	_ =	shalt  }
.Lfunc_end0:
.L_simem_size_0:
called_computation.2_lowered:
.L_overlay_start_0:
0x88: {  	s2 =	sld [smem:$0x3FD9]  }
0x89: {  	s3 =	sld [smem:$0x3FFE];
	_ =	sdelay $0x1  }
0x8a: {  	s1 =	srdreg.scid  }
0x8b: {  	s0 =	sand.u32 $0x1, s1  }
0x8c: {  	s17 =	sshll.u32 s0, $0xA;
	s2 =	sadd.s32 s3, s2  }
0x8d: {  	s2 =	sadd.s32 s2, s17  }
0x8e: {  	[smem:$0x3FC4] =	sst s2  }
0x8f: {  	_ = 	snop  }
0x90: {  	s2 =	sld [smem:$0x3FD0];
	(tm) =	ssettm $0x1  }
0x91: {  	s18 =	sld [smem:$0x3FFB];
	_ =	sdelay $0x3  }
0x92: {  	_ =	strace s18  }
0x93: {  	s3 =	sld [smem:$0x3FFC];
	_ =	sdelay $0x3  }
0x94: {  	_ =	strace s3  }
0x95: {  	s3 =	sld [smem:$0x3FFD];
	_ =	sdelay $0x3  }
0x96: {  	_ =	strace s3  }
0x97: {  	_ =	strace $0x8FFFFFFF  }
0x98: {  	s19 =	sld [smem:$0x3FDB];
	_ =	sdelay $0x1  }
0x99: {  	s4 =	simm.s32 $_scs_section_size  }
0x9a: {  	s5 =	simm.s32 $_size__tile_overlayer_lowered;
	s6 =	simm.s32 $_tile_overlayer_lowered  }
0x9b: {  	s22 =	simm.s32 $0x1BFF;
	s21 =	sshll.u32 s6, $0x1;
	s3 =	sadd.s32 s4, s19  }
0x9c: {  	s7 =	simm.s32 $0x0;
	s20 =	sshll.u32 s5, $0x1;
	s5 =	sadd.s32 s21, s3  }
0x9d: {  	[timem:s7], [sflag:s22] =	dma.local [hbm:s5], s20  }
0x9e: {  	_ =	swait.ge [sflag:s22], s20  }
0x9f: {  	s4 =	ssub.s32 $0x0, s20;
	[sflag:s22] =	ssyncset.done $0x0  }
0xa0: {  	[sflag:s22] =	ssyncadd.s32 s4;
	_ =	sdelay $0x1  }
0xa1: {  	s23 =	simm.s32 $0x1B8B  }
0xa2: {  	_ =	swait.ge [sflag:s23], $0x1  }
0xa3: {  	[sflag:s23] =	ssyncset.done $0x0  }
0xa4: {  	s25 =	simm.s32 $0x1B8E;
	s24 =	sld [smem:$0x3FFE];
	[sflag:s23] =	ssyncadd.s32 $0xFFFFFFFF  }
0xa5: {  	s26 =	simm.s32 $execute0_lowered;
	[smem:$0x3FD2] =	sst s25  }
0xa6: {  	s5 =	sshll.u32 s26, $0x1;
	_ =	strace $0x8000004C;
	[dreg:$0x1] =	wrdreg $0xFFFFFFFF  }
0xa7: {  	s28 =	simm.s32 $_size_execute0_lowered;
	s3 =	sadd.s32 s3, s5;
	[dreg:$0x0] =	wrdreg $0x0  }
0xa8: {  	s5 =	sshll.u32 s28, $0x1;
	[dreg:$0x2] =	wrdreg s3  }
0xa9: {  	[dreg:$0x3] =	wrdreg s5  }
0xaa: {  	[dreg:$0x4] =	wrdreg $0xC0  }
0xab: {  	_ =	task [dreg:s7], $0x5FFFF  }
0xac: {  	[dreg:$0x1] =	wrdreg $0xFFFFFFFF  }
0xad: {  	[dreg:$0x0] =	wrdreg $0x60  }
0xae: {  	[dreg:$0x2] =	wrdreg s2  }
0xaf: {  	[dreg:$0x3] =	wrdreg s24  }
0xb0: {  	[dreg:$0x4] =	wrdreg $0x0  }
0xb1: {  	[dreg:$0x5] =	wrdreg $0x9  }
0xb2: {  	_ =	task.clear_ibuf [dreg:s7], $0x6FFFF;
	_ =	strace $0x9000004C  }
0xb3: {  	s29 =	simm.s32 $0x9;
	_ =	strace $0x8000004E  }
0xb4: {  	_ =	swait.ge [sflag:s29], $0x1  }
0xb5: {  	[sflag:s29] =	ssyncadd.s32 $0xFFFFFFFF  }
0xb6: {  	_ =	strace $0x9000004E  }
0xb7: {  	_ =	sfence  }
0xb8: {  	s30 =	sld [smem:$0x0];
	_ =	sdelay $0x2  }
0xb9: {  	s31 =	sshll.u32 s1, $0xD;
	s1 =	sshrl.u32 s1, $0x2  }
0xba: {  	s3 =	sand.u32 $0x4000, s31;
	s1 =	sadd.s32 s1, s30  }
0xbb: {  	s0 =	sor.u32 s3, s0;
	s1 =	sshll.u32 s1, $0x11  }
0xbc: {  	s0 =	sor.u32 s1, s0  }
0xbd: {  	s0 =	sadd.s32 $0x8F2B, s0  }
0xbe: {  	[sflag:s0] =	ssyncadd.remote.s32 $0x1  }
0xbf: {  	_ =	sfence.sel $0xFFFF  }
0xc0: {  	[dreg:$0x0] =	wrdreg $0xFFFFFFFF;
	(pc) =	sbr.abs _section_cstart, $3  }
0xc1: {  	[dreg:$0x1] =	wrdreg $0xFFFFFFFF  }
0xc2: {  	_ =	task.clear_ibuf [dreg:s7], $0x2FFFF;
	_ =	strace $0x9FFFFFFF  }
0xc3: {  	(tm) =	ssettm $0x7FFFFFFF  }
tec
execute0_lowered:
.L_overlay_start_1:
0x0: {  	(tag) =	ssettag $0x1  }
0x1: {  	s1 =	rddreg [dreg:$0x0]  }
0x2: {  	s0 =	rddreg [dreg:$0x1]  }
0x3: {  	s3 =	rddreg [dreg:$0x2];
	s4 =	simm.s32 $0x0;
	s10 =	stileid.u32  }
0x4: {  	s2 =	srdreg.scid;
	s28 =	simm.s32 $0x6;
	s5 =	smul.u32 $0x13C00, s10  }
0x5: {  	s29 =	simm.s32 $0x0;
	[smem:$0x7FF] =	sst s4;
	s8 =	smul.u32 $0x4F000, s10  }
0x6: {  	s2 =	sand.u32 $0x1, s2;
	s12 =	sadd.s32 $0x79C00, s0;
	s9 =	smul.u32 $0xA000, s10  }
0x7: {  	s14 =	sshll.u32 s10, $0x6;
	_ =	strace $0x8000004D;
	s6 =	smul.u32 $0x13C000, s2  }
0x8: {  	s26 =	smul.u32 $0xA0000, s2;
	s2 =	ssub.s32 $0x2, s2;
	s7 =	sshrl.u32 s5, $0x3  }
0x9: {  	s30 =	sshrl.u32 s2, $0x1;
	s8 =	sshrl.u32 s8, $0x2;
	s7 =	sadd.s32 s7, s0  }
0xa: {  	s5 =	sadd.s32 s5, s6;
	s2 =	ssub.s32 s2, s30;
	s31 =	sadd.s32 s8, s3  }
0xb: {  	s11 =	sadd.s32 s9, s26;
	s6 =	sor.u32 $0x1C09, s14;
	s26 =	simm.s32 $0x13C80  }
0xc: {  	s30 =	simm.s32 $0x13D80;
	s5 =	sshrl.u32 s5, $0x3;
	s13 =	sadd.s32 $0x3400, s7  }
0xd: {  	s15 =	sshrl.u32 s11, $0x3;
	s16 =	sor.u32 $0x600, s11;
	s20 =	sor.u32 $0x500, s11  }
0xe: {  	s22 =	sor.u32 $0x400, s11;
	s11 =	sor.u32 $0x300, s11;
	[dreg:$0x8] =	wrdreg s26  }
0xf: {  	[dreg:$0x9] =	wrdreg s30;
	s26 =	simm.s32 $0x8;
	s0 =	sadd.s32 s5, s0  }
0x10: {  	[dreg:$0xb] =	wrdreg s13;
	s7 =	sadd.s32 s12, s15;
	s13 =	sshrl.u32 s16, $0x3  }
0x11: {  	s21 =	sshrl.u32 s20, $0x3;
	s24 =	sshrl.u32 s11, $0x3;
	s11 =	smax.u32 s2, $0x1  }
0x12: {  	s15 =	simm.s32 $0x13D00;
	s16 =	simm.s32 $0x13E00;
	s17 =	sadd.s32 $0x20, s7  }
0x13: {  	s20 =	simm.s32 $0x16000;
	s18 =	sadd.s32 $0x40, s7;
	[dreg:$0xc] =	wrdreg s17  }
0x14: {  	s0 =	sadd.s32 $0xA1C00, s0;
	s19 =	sadd.s32 s13, s12;
	[dreg:$0xd] =	wrdreg s18  }
0x15: {  	s13 =	sshrl.u32 s22, $0x3;
	s25 =	sadd.s32 s24, s12;
	[dreg:$0xe] =	wrdreg s0  }
0x16: {  	s22 =	simm.s32 $0x1;
	s24 =	simm.s32 $0x5;
	[dreg:$0x4] =	wrdreg s19  }
0x17: {  	s0 =	sadd.s32 s21, s12;
	s23 =	sadd.s32 s13, s12;
	[dreg:$0x7] =	wrdreg s25  }
0x18: {  	s12 =	sshrl.u32 s31, $0x3;
	s13 =	simm.s32 $0x9;
	s17 =	simm.s32 $0x40  }
0x19: {  	s18 =	simm.s32 $0x14000;
	s19 =	simm.s32 $0x4;
	[dreg:$0x5] =	wrdreg s0  }
0x1a: {  	s21 =	simm.s32 $0x13F00;
	s31 =	simm.s32 $0x13F80;
	[dreg:$0x6] =	wrdreg s23  }
0x1b: {  	s25 =	simm.s32 $0x2;
	s23 =	simm.s32 $0x7;
	[dreg:$0xa] =	wrdreg s31  }
.LBB2_1:
0x1c: {  	s0 =	rddreg [dreg:$0xb]  }
0x1d: {  	[spmem:s12], [sflag:s6] =	dma.local [hbm:s0], $0x2780  }
0x1e: {  	_ =	swait.ge [sflag:s13], $0x2780  }
0x1f: {  	[sflag:s13] =	ssyncset.done $0x0  }
0x20: {  	s2 =	simm.s32 $0x13C00;
	[sflag:s13] =	ssyncadd.s32 $0xFFFFD880  }
0x21: {  	[tilespmem:s2], [sflag:$0x9] =	stream.linear.gather [hbm4b:s7+s4], $0x100, $0x38;
	[tilespmem:$0x18000] =	vst v63  }
0x22: {  	_ =	swait.ge [sflag:s13], $0x100  }
0x23: {  	[sflag:s13] =	ssyncset.done $0x0  }
0x24: {  	p0 =	por $0x1, $0x1;
	s5 =	rddreg [dreg:$0xc];
	[sflag:s13] =	ssyncadd.s32 $0xFFFFFF00  }
0x25: {  	[tilespmem:s15], [sflag:$0x4] =	stream.linear.gather [hbm4b:s5+s4], $0x100, $0x38;
	[tilespmem:$0x18000] =	vst v63  }
0x26: {  	p0 =	por p0, p0;
	s8 =	rddreg [dreg:$0xd]  }
0x27: {  	[tilespmem:s16], [sflag:$0x5] =	stream.linear.gather [hbm4b:s8+s4], $0x100, $0x38;
	[tilespmem:$0x18000] =	vst v63  }
0x28: {  	s0 =	simm.s32 @!p0 $0x8;
	[bflag:$0x0] =	sbarrier.arrive $0xFFFF  }
0x29: {  	[tilespmem:s18], [sflag:$0x1] =	stream.indirect.gather [hbm4b:s1+s17], $0x80, s2, s17, $0xb8;
	[tilespmem:$0x18000] =	vst v63  }
0x2a: {  	_ =	swait.ge @!p0 [sflag:s0], $0x2000  }
0x2b: {  	[sflag:s0] =	ssyncset.done @!p0 $0x0  }
0x2c: {  	[sflag:s0] =	ssyncadd.s32 @!p0 $0xFFFFE000  }
0x2d: {  	_ =	swait.ge [sflag:s19], $0x100  }
0x2e: {  	[sflag:s19] =	ssyncset.done $0x0  }
0x2f: {  	s9 =	rddreg [dreg:$0x7];
	[sflag:s19] =	ssyncadd.s32 $0xFFFFFF00  }
0x30: {  	[tilespmem:s20], [sflag:$0x2] =	stream.indirect.gather [hbm4b:s1+s17], $0x80, s15, s17, $0xb8;
	[tilespmem:$0x18000] =	vst v63  }
0x31: {  	s0 =	sadd.s32 $0x0, s9  }
0x32: {  	[tilespmem:s21], [sflag:$0x6] =	stream.linear.gather [hbm4b:s0+s4], $0x100, $0x38;
	[tilespmem:$0x18000] =	vst v63  }
0x33: {  	_ =	swait.ge [sflag:s22], $0x2000  }
0x34: {  	[sflag:s22] =	ssyncset.done $0x0  }
0x35: {  	s10 =	rddreg [dreg:$0x8];
	[sflag:s22] =	ssyncadd.s32 $0xFFFFE000  }
0x36: {  	[spmem:s3] =	stream.indirect.scatter.add.f32 [tilespmem:s18], [sflag:$0x7], $0x80, s10, s17, $0xb8;
	[tilespmem:$0x18000] =	vst v63  }
0x37: {  	_ =	swait.ge [sflag:s23], $0x2000  }
0x38: {  	[sflag:s23] =	ssyncset.done $0x0  }
0x39: {  	[sflag:s23] =	ssyncadd.s32 $0xFFFFE000  }
0x3a: {  	_ =	swait.ge [sflag:s24], $0x100  }
0x3b: {  	[sflag:s24] =	ssyncset.done $0x0  }
0x3c: {  	p0 =	por $0x0, $0x0;
	s0 =	rddreg [dreg:$0x6];
	[sflag:s24] =	ssyncadd.s32 $0xFFFFFF00  }
0x3d: {  	[tilespmem:s18], [sflag:$0x1] =	stream.indirect.gather [hbm4b:s1+s17], $0x80, s16, s17, $0xb8;
	[tilespmem:$0x18000] =	vst v63  }
0x3e: {  	s2 =	simm.s32 @!p0 $0x0;
	s5 =	simm.s32 @!p0 $0x13C00;
	s0 =	sadd.s32 @!p0 $0x0, s0  }
0x3f: {  	[tilespmem:s5], [sflag:$0x3] =	stream.linear.gather @!p0 [hbm4b:s0+s2], $0x100, $0x38;
	[tilespmem:$0x18000] =	vst v63  }
0x40: {  	_ =	swait.ge [sflag:s25], $0x2000  }
0x41: {  	[sflag:s25] =	ssyncset.done $0x0  }
0x42: {  	s14 =	rddreg [dreg:$0x9];
	[sflag:s25] =	ssyncadd.s32 $0xFFFFE000  }
0x43: {  	[spmem:s3] =	stream.indirect.scatter.add.f32 [tilespmem:s20], [sflag:$0x8], $0x80, s14, s17, $0xb8;
	[tilespmem:$0x18000] =	vst v63  }
0x44: {  	_ =	swait.ge [sflag:s26], $0x2000  }
0x45: {  	[sflag:s26] =	ssyncset.done $0x0  }
0x46: {  	[sflag:s26] =	ssyncadd.s32 $0xFFFFE000  }
0x47: {  	_ =	swait.ge [sflag:s28], $0x100  }
0x48: {  	[sflag:s28] =	ssyncset.done $0x0  }
0x49: {  	s0 =	simm.s32 @p0 $0x1;
	[sflag:s28] =	ssyncadd.s32 $0xFFFFFF00  }
0x4a: {  	[tilespmem:s20], [sflag:$0x2] =	stream.indirect.gather [hbm4b:s1+s17], $0x80, s21, s17, $0xb8;
	[tilespmem:$0x18000] =	vst v63  }
0x4b: {  	_ =	swait.ge @p0 [sflag:s0], $0x2000  }
0x4c: {  	s30 =	simm.s32 @p0 $0x14000;
	s31 =	simm.s32 @p0 $0x7;
	[sflag:s0] =	ssyncset.done @p0 $0x0  }
0x4d: {  	s8 =	simm.s32 @p0 $0x13E80;
	[sflag:s0] =	ssyncadd.s32 @p0 $0xFFFFE000;
	s0 =	simm.s32 @p0 $0x40  }
0x4e: {  	[spmem:s3] =	stream.indirect.scatter.add.f32 @p0 [tilespmem:s30], [sflag:$0x7], $0x80, s8, s0, $0xb8;
	[tilespmem:$0x18000] =	vst v63  }
0x4f: {  	_ =	swait.ge @p0 [sflag:s31], $0x2000  }
0x50: {  	s8 =	simm.s32 @!p0 $0x1;
	s0 =	rddreg [dreg:$0x5];
	[sflag:s31] =	ssyncset.done @p0 $0x0  }
0x51: {  	s30 =	simm.s32 @!p0 $0x13D00;
	[sflag:s31] =	ssyncadd.s32 @p0 $0xFFFFE000;
	s0 =	sadd.s32 @!p0 $0x0, s0  }
0x52: {  	[tilespmem:s30], [sflag:$0x4] =	stream.linear.gather @!p0 [hbm4b:s0+s2], $0x100, $0x38;
	[tilespmem:$0x18000] =	vst v63  }
0x53: {  	_ =	swait.ge @!p0 [sflag:s8], $0x2000  }
0x54: {  	s31 =	simm.s32 @!p0 $0x13E80;
	s0 =	simm.s32 @!p0 $0x14000;
	[sflag:s8] =	ssyncset.done @!p0 $0x0  }
0x55: {  	s30 =	simm.s32 @!p0 $0x7;
	[sflag:s8] =	ssyncadd.s32 @!p0 $0xFFFFE000;
	s8 =	simm.s32 @!p0 $0x40  }
0x56: {  	[spmem:s3] =	stream.indirect.scatter.add.f32 @!p0 [tilespmem:s0], [sflag:$0x7], $0x80, s31, s8, $0xb8;
	[tilespmem:$0x18000] =	vst v63  }
0x57: {  	_ =	swait.ge @!p0 [sflag:s30], $0x2000  }
0x58: {  	[sflag:s30] =	ssyncset.done @!p0 $0x0  }
0x59: {  	[sflag:s30] =	ssyncadd.s32 @!p0 $0xFFFFE000;
	s30 =	simm.s32 @!p0 $0x3  }
0x5a: {  	_ =	swait.ge @!p0 [sflag:s30], $0x100  }
0x5b: {  	[sflag:s30] =	ssyncset.done @!p0 $0x0  }
0x5c: {  	s31 =	rddreg [dreg:$0x4];
	[sflag:s30] =	ssyncadd.s32 @!p0 $0xFFFFFF00  }
0x5d: {  	[tilespmem:s0], [sflag:$0x1] =	stream.indirect.gather @!p0 [hbm4b:s1+s8], $0x80, s5, s8, $0xb8;
	[tilespmem:$0x18000] =	vst v63  }
0x5e: {  	s0 =	sadd.s32 @!p0 $0x0, s31;
	s5 =	simm.s32 @!p0 $0x13E00  }
0x5f: {  	[tilespmem:s5], [sflag:$0x5] =	stream.linear.gather @!p0 [hbm4b:s0+s2], $0x100, $0x38;
	[tilespmem:$0x18000] =	vst v63  }
0x60: {  	p6 =	por $0x0, $0x0;
	_ =	swait.ge [sflag:s25], $0x2000  }
0x61: {  	s30 =	simm.s32 $0x80;
	s31 =	simm.s32 $0x100;
	[sflag:s25] =	ssyncset.done $0x0  }
0x62: {  	p0 =	por p6, p6;
	s0 =	rddreg [dreg:$0xa];
	[sflag:s25] =	ssyncadd.s32 $0xFFFFE000  }
.LBB2_2:
0x63: {  	[spmem:s3] =	stream.indirect.scatter.add.f32 [tilespmem:s20], [sflag:$0x8], $0x80, s0, s17, $0xb8;
	[tilespmem:$0x18000] =	vst v63  }
0x64: {  	s2 =	simm.s32 @!p0 $0x8  }
0x65: {  	_ =	swait.ge @!p0 [sflag:s2], $0x2000  }
0x66: {  	[sflag:s2] =	ssyncset.done @!p0 $0x0  }
0x67: {  	[sflag:s2] =	ssyncadd.s32 @!p0 $0xFFFFE000  }
0x68: {  	_ =	swait.ge [sflag:s19], $0x100  }
0x69: {  	[sflag:s19] =	ssyncset.done $0x0  }
0x6a: {  	s9 =	rddreg [dreg:$0x7];
	[sflag:s19] =	ssyncadd.s32 $0xFFFFFF00  }
0x6b: {  	[tilespmem:s20], [sflag:$0x2] =	stream.indirect.gather [hbm4b:s1+s17], $0x80, s15, s17, $0xb8;
	[tilespmem:$0x18000] =	vst v63  }
0x6c: {  	s2 =	sadd.s32 s30, s9  }
0x6d: {  	[tilespmem:s21], [sflag:$0x6] =	stream.linear.gather [hbm4b:s2+s4], $0x100, $0x38;
	[tilespmem:$0x18000] =	vst v63  }
0x6e: {  	_ =	swait.ge [sflag:s22], $0x2000  }
0x6f: {  	[sflag:s22] =	ssyncset.done $0x0  }
0x70: {  	s10 =	rddreg [dreg:$0x8];
	[sflag:s22] =	ssyncadd.s32 $0xFFFFE000  }
0x71: {  	[spmem:s3] =	stream.indirect.scatter.add.f32 [tilespmem:s18], [sflag:$0x7], $0x80, s10, s17, $0xb8;
	[tilespmem:$0x18000] =	vst v63  }
0x72: {  	_ =	swait.ge [sflag:s23], $0x2000  }
0x73: {  	[sflag:s23] =	ssyncset.done $0x0  }
0x74: {  	s0 =	smov.u32 s31;
	[sflag:s23] =	ssyncadd.s32 $0xFFFFE000  }
0x75: {  	p2 =	seq.s32 s0, $0x0;
	_ =	swait.ge [sflag:s24], $0x100  }
0x76: {  	p0 =	por p2, p2;
	[sflag:s24] =	ssyncset.done $0x0  }
0x77: {  	p2 =	seq.s32 s30, $0x1380;
	s2 =	rddreg [dreg:$0x6];
	[sflag:s24] =	ssyncadd.s32 $0xFFFFFF00  }
0x78: {  	[tilespmem:s18], [sflag:$0x1] =	stream.indirect.gather [hbm4b:s1+s17], $0x80, s16, s17, $0xb8;
	[tilespmem:$0x18000] =	vst v63  }
0x79: {  	s5 =	simm.s32 @!p2 $0x13C00;
	s8 =	sadd.s32 @!p2 s30, s2;
	s2 =	simm.s32 @!p2 $0x0  }
0x7a: {  	[tilespmem:s5], [sflag:$0x3] =	stream.linear.gather @!p2 [hbm4b:s8+s2], $0x100, $0x38;
	[tilespmem:$0x18000] =	vst v63  }
0x7b: {  	_ =	swait.ge [sflag:s25], $0x2000  }
0x7c: {  	[sflag:s25] =	ssyncset.done $0x0  }
0x7d: {  	s14 =	rddreg [dreg:$0x9];
	[sflag:s25] =	ssyncadd.s32 $0xFFFFE000  }
0x7e: {  	[spmem:s3] =	stream.indirect.scatter.add.f32 [tilespmem:s20], [sflag:$0x8], $0x80, s14, s17, $0xb8;
	[tilespmem:$0x18000] =	vst v63  }
0x7f: {  	_ =	swait.ge [sflag:s26], $0x2000  }
0x80: {  	[sflag:s26] =	ssyncset.done $0x0  }
0x81: {  	[sflag:s26] =	ssyncadd.s32 $0xFFFFE000  }
0x82: {  	_ =	swait.ge [sflag:s28], $0x100  }
0x83: {  	[sflag:s28] =	ssyncset.done $0x0  }
0x84: {  	s8 =	simm.s32 @p2 $0x1;
	[sflag:s28] =	ssyncadd.s32 $0xFFFFFF00  }
0x85: {  	[tilespmem:s20], [sflag:$0x2] =	stream.indirect.gather [hbm4b:s1+s17], $0x80, s21, s17, $0xb8;
	[tilespmem:$0x18000] =	vst v63  }
0x86: {  	_ =	swait.ge @p2 [sflag:s8], $0x2000  }
0x87: {  	s9 =	simm.s32 @p2 $0x14000;
	s10 =	simm.s32 @p2 $0x7;
	[sflag:s8] =	ssyncset.done @p2 $0x0  }
0x88: {  	s14 =	simm.s32 @p2 $0x13E80;
	[sflag:s8] =	ssyncadd.s32 @p2 $0xFFFFE000;
	s8 =	simm.s32 @p2 $0x40  }
0x89: {  	[spmem:s3] =	stream.indirect.scatter.add.f32 @p2 [tilespmem:s9], [sflag:$0x7], $0x80, s14, s8, $0xb8;
	[tilespmem:$0x18000] =	vst v63  }
0x8a: {  	_ =	swait.ge @p2 [sflag:s10], $0x2000  }
0x8b: {  	s9 =	simm.s32 @!p2 $0x1;
	s8 =	rddreg [dreg:$0x5];
	[sflag:s10] =	ssyncset.done @p2 $0x0  }
0x8c: {  	[sflag:s10] =	ssyncadd.s32 @p2 $0xFFFFE000;
	s8 =	sadd.s32 @!p2 s30, s8;
	s10 =	simm.s32 @!p2 $0x13D00  }
0x8d: {  	[tilespmem:s10], [sflag:$0x4] =	stream.linear.gather @!p2 [hbm4b:s8+s2], $0x100, $0x38;
	[tilespmem:$0x18000] =	vst v63  }
0x8e: {  	_ =	swait.ge @!p2 [sflag:s9], $0x2000  }
0x8f: {  	s14 =	simm.s32 @!p2 $0x13E80;
	s8 =	simm.s32 @!p2 $0x14000;
	[sflag:s9] =	ssyncset.done @!p2 $0x0  }
0x90: {  	s10 =	simm.s32 @!p2 $0x7;
	[sflag:s9] =	ssyncadd.s32 @!p2 $0xFFFFE000;
	s9 =	simm.s32 @!p2 $0x40  }
0x91: {  	[spmem:s3] =	stream.indirect.scatter.add.f32 @!p2 [tilespmem:s8], [sflag:$0x7], $0x80, s14, s9, $0xb8;
	[tilespmem:$0x18000] =	vst v63  }
0x92: {  	_ =	swait.ge @!p2 [sflag:s10], $0x2000  }
0x93: {  	[sflag:s10] =	ssyncset.done @!p2 $0x0  }
0x94: {  	[sflag:s10] =	ssyncadd.s32 @!p2 $0xFFFFE000;
	s10 =	simm.s32 @!p2 $0x3  }
0x95: {  	_ =	swait.ge @!p2 [sflag:s10], $0x100  }
0x96: {  	s31 =	sadd.s32 $0x80, s31;
	[sflag:s10] =	ssyncset.done @!p2 $0x0  }
0x97: {  	p1 =	sne.s32 s31, $0x1400;
	s14 =	rddreg [dreg:$0x4];
	[sflag:s10] =	ssyncadd.s32 @!p2 $0xFFFFFF00  }
0x98: {  	[tilespmem:s8], [sflag:$0x1] =	stream.indirect.gather @!p2 [hbm4b:s1+s9], $0x80, s5, s9, $0xb8;
	[tilespmem:$0x18000] =	vst v63  }
.Ltmp0:
0x99: {  	s5 =	sadd.s32 @!p2 s30, s14;
	s8 =	simm.s32 @!p2 $0x13E00;
	(pc) =	sbr.rel @p1 .LBB2_2-.Ltmp0, $4  }
0x9a: {  	[tilespmem:s8], [sflag:$0x5] =	stream.linear.gather @!p2 [hbm4b:s5+s2], $0x100, $0x38;
	[tilespmem:$0x18000] =	vst v63  }
0x9b: {  	_ =	swait.ge [sflag:s25], $0x2000  }
0x9c: {  	[sflag:s25] =	ssyncset.done $0x0  }
0x9d: {  	s30 =	smov.u32 s0;
	s0 =	rddreg [dreg:$0xa];
	[sflag:s25] =	ssyncadd.s32 $0xFFFFE000  }
0x9e: {  	[spmem:s3] =	stream.indirect.scatter.add.f32 [tilespmem:s20], [sflag:$0x8], $0x80, s0, s17, $0xb8;
	[tilespmem:$0x18000] =	vst v63  }
0x9f: {  	s0 =	simm.s32 @!p0 $0x8  }
0xa0: {  	_ =	swait.ge @!p0 [sflag:s0], $0x2000  }
0xa1: {  	[sflag:s0] =	ssyncset.done @!p0 $0x0  }
0xa2: {  	[sflag:s0] =	ssyncadd.s32 @!p0 $0xFFFFE000  }
0xa3: {  	_ =	swait.ge [sflag:s19], $0x100  }
0xa4: {  	[sflag:s19] =	ssyncset.done $0x0  }
0xa5: {  	s9 =	rddreg [dreg:$0x7];
	[sflag:s19] =	ssyncadd.s32 $0xFFFFFF00  }
0xa6: {  	[tilespmem:s20], [sflag:$0x2] =	stream.indirect.gather [hbm4b:s1+s17], $0x80, s15, s17, $0xb8;
	[tilespmem:$0x18000] =	vst v63  }
0xa7: {  	s0 =	sadd.s32 s30, s9  }
0xa8: {  	[tilespmem:s21], [sflag:$0x6] =	stream.linear.gather [hbm4b:s0+s4], $0x100, $0x38;
	[tilespmem:$0x18000] =	vst v63  }
0xa9: {  	_ =	swait.ge [sflag:s22], $0x2000  }
0xaa: {  	[sflag:s22] =	ssyncset.done $0x0  }
0xab: {  	s10 =	rddreg [dreg:$0x8];
	[sflag:s22] =	ssyncadd.s32 $0xFFFFE000  }
0xac: {  	[spmem:s3] =	stream.indirect.scatter.add.f32 [tilespmem:s18], [sflag:$0x7], $0x80, s10, s17, $0xb8;
	[tilespmem:$0x18000] =	vst v63  }
0xad: {  	_ =	swait.ge [sflag:s23], $0x2000  }
0xae: {  	[sflag:s23] =	ssyncset.done $0x0  }
0xaf: {  	[sflag:s23] =	ssyncadd.s32 $0xFFFFE000  }
0xb0: {  	_ =	swait.ge [sflag:s24], $0x100  }
0xb1: {  	[sflag:s24] =	ssyncset.done $0x0  }
0xb2: {  	p0 =	seq.s32 s30, $0x1380;
	s0 =	rddreg [dreg:$0x6];
	[sflag:s24] =	ssyncadd.s32 $0xFFFFFF00  }
0xb3: {  	[tilespmem:s18], [sflag:$0x1] =	stream.indirect.gather [hbm4b:s1+s17], $0x80, s16, s17, $0xb8;
	[tilespmem:$0x18000] =	vst v63  }
0xb4: {  	s2 =	simm.s32 @!p0 $0x0;
	s5 =	simm.s32 @!p0 $0x13C00;
	s0 =	sadd.s32 @!p0 s30, s0  }
0xb5: {  	[tilespmem:s5], [sflag:$0x3] =	stream.linear.gather @!p0 [hbm4b:s0+s2], $0x100, $0x38;
	[tilespmem:$0x18000] =	vst v63  }
0xb6: {  	_ =	swait.ge [sflag:s25], $0x2000  }
0xb7: {  	[sflag:s25] =	ssyncset.done $0x0  }
0xb8: {  	s14 =	rddreg [dreg:$0x9];
	[sflag:s25] =	ssyncadd.s32 $0xFFFFE000  }
0xb9: {  	[spmem:s3] =	stream.indirect.scatter.add.f32 [tilespmem:s20], [sflag:$0x8], $0x80, s14, s17, $0xb8;
	[tilespmem:$0x18000] =	vst v63  }
0xba: {  	_ =	swait.ge [sflag:s26], $0x2000  }
0xbb: {  	[sflag:s26] =	ssyncset.done $0x0  }
0xbc: {  	[sflag:s26] =	ssyncadd.s32 $0xFFFFE000  }
0xbd: {  	_ =	swait.ge [sflag:s28], $0x100  }
0xbe: {  	[sflag:s28] =	ssyncset.done $0x0  }
0xbf: {  	s0 =	simm.s32 @p0 $0x1;
	[sflag:s28] =	ssyncadd.s32 $0xFFFFFF00  }
0xc0: {  	[tilespmem:s20], [sflag:$0x2] =	stream.indirect.gather [hbm4b:s1+s17], $0x80, s21, s17, $0xb8;
	[tilespmem:$0x18000] =	vst v63  }
0xc1: {  	_ =	swait.ge @p0 [sflag:s0], $0x2000  }
0xc2: {  	s8 =	simm.s32 @p0 $0x14000;
	s9 =	simm.s32 @p0 $0x7;
	[sflag:s0] =	ssyncset.done @p0 $0x0  }
0xc3: {  	s10 =	simm.s32 @p0 $0x13E80;
	[sflag:s0] =	ssyncadd.s32 @p0 $0xFFFFE000;
	s0 =	simm.s32 @p0 $0x40  }
0xc4: {  	[spmem:s3] =	stream.indirect.scatter.add.f32 @p0 [tilespmem:s8], [sflag:$0x7], $0x80, s10, s0, $0xb8;
	[tilespmem:$0x18000] =	vst v63  }
0xc5: {  	_ =	swait.ge @p0 [sflag:s9], $0x2000  }
0xc6: {  	s8 =	simm.s32 @!p0 $0x1;
	s0 =	rddreg [dreg:$0x5];
	[sflag:s9] =	ssyncset.done @p0 $0x0  }
0xc7: {  	[sflag:s9] =	ssyncadd.s32 @p0 $0xFFFFE000;
	s0 =	sadd.s32 @!p0 s30, s0;
	s9 =	simm.s32 @!p0 $0x13D00  }
0xc8: {  	[tilespmem:s9], [sflag:$0x4] =	stream.linear.gather @!p0 [hbm4b:s0+s2], $0x100, $0x38;
	[tilespmem:$0x18000] =	vst v63  }
0xc9: {  	_ =	swait.ge @!p0 [sflag:s8], $0x2000  }
0xca: {  	s10 =	simm.s32 @!p0 $0x13E80;
	s0 =	simm.s32 @!p0 $0x14000;
	[sflag:s8] =	ssyncset.done @!p0 $0x0  }
0xcb: {  	s9 =	simm.s32 @!p0 $0x7;
	[sflag:s8] =	ssyncadd.s32 @!p0 $0xFFFFE000;
	s8 =	simm.s32 @!p0 $0x40  }
0xcc: {  	[spmem:s3] =	stream.indirect.scatter.add.f32 @!p0 [tilespmem:s0], [sflag:$0x7], $0x80, s10, s8, $0xb8;
	[tilespmem:$0x18000] =	vst v63  }
0xcd: {  	_ =	swait.ge @!p0 [sflag:s9], $0x2000  }
0xce: {  	[sflag:s9] =	ssyncset.done @!p0 $0x0  }
0xcf: {  	[sflag:s9] =	ssyncadd.s32 @!p0 $0xFFFFE000;
	s9 =	simm.s32 @!p0 $0x3  }
0xd0: {  	_ =	swait.ge @!p0 [sflag:s9], $0x100  }
0xd1: {  	[sflag:s9] =	ssyncset.done @!p0 $0x0  }
0xd2: {  	s10 =	rddreg [dreg:$0x4];
	[sflag:s9] =	ssyncadd.s32 @!p0 $0xFFFFFF00  }
0xd3: {  	[tilespmem:s0], [sflag:$0x1] =	stream.indirect.gather @!p0 [hbm4b:s1+s8], $0x80, s5, s8, $0xb8;
	[tilespmem:$0x18000] =	vst v63  }
0xd4: {  	s0 =	sadd.s32 @!p0 s30, s10;
	s5 =	simm.s32 @!p0 $0x13E00  }
0xd5: {  	[tilespmem:s5], [sflag:$0x5] =	stream.linear.gather @!p0 [hbm4b:s0+s2], $0x100, $0x38;
	[tilespmem:$0x18000] =	vst v63  }
0xd6: {  	_ =	swait.ge [sflag:s25], $0x2000  }
0xd7: {  	[sflag:s25] =	ssyncset.done $0x0  }
0xd8: {  	s30 =	rddreg [dreg:$0xa];
	[sflag:s25] =	ssyncadd.s32 $0xFFFFE000  }
0xd9: {  	[spmem:s3] =	stream.indirect.scatter.add.f32 [tilespmem:s20], [sflag:$0x8], $0x80, s30, s17, $0xb8;
	[tilespmem:$0x18000] =	vst v63  }
0xda: {  	_ =	swait.ge [sflag:s26], $0x2000  }
0xdb: {  	[sflag:s26] =	ssyncset.done $0x0  }
0xdc: {  	s29 =	sadd.s32 $0x1, s29;
	[sflag:s26] =	ssyncadd.s32 $0xFFFFE000  }
0xdd: {  	p0 =	sne.s32 s29, s11;
	[bflag:$0x0] =	sbarrier.arrive $0xFFFF  }
.Ltmp1:
0xde: {  	s31 =	rddreg [dreg:$0xe];
	(pc) =	sbr.rel @p0 .LBB2_1-.Ltmp1, $4  }
0xdf: {  	[hbm:s31], [sflag:s6] =	dma.local [spmem:s12], $0x2780  }
0xe0: {  	_ =	swait.ge [sflag:s13], $0x2780  }
0xe1: {  	[sflag:s13] =	ssyncset.done $0x0  }
0xe2: {  	[sflag:s13] =	ssyncadd.s32 $0xFFFFD880  }
0xe3: {  	_ =	sfence.sel $0x180000  }
0xe4: {  	[bflag:$0x0] =	sbarrier.arrive $0xFFFF  }
0xe5: {  	_ =	strace $0x9000004D  }
0xe6: {  	s0 =	stileid.u32;
	[bflag:$0x2] =	sbarrier.arrive $0xFFFF  }
0xe7: {  	p0 =	sne.s32 s0, $0x0;
	s0 =	rddreg [dreg:$0x3]  }
0xe8: {  	s0 =	sadd.s32 @!p0 $0x100000, s0  }
0xe9: {  	[sflag:s0] =	ssyncadd.tile.s32 @!p0 $0x1;
	_ =	shalt  }
.Lfunc_end2:
_tile_overlayer_lowered:
.L_overlay_start_2:
0xea: {  	(tag) =	ssettag $0x2  }
0xeb: {  	s0 =	rddreg [dreg:$0x0];
	s2 =	stileid.u32  }
0xec: {  	s1 =	rddreg [dreg:$0x1];
	p0 =	sne.s32 s2, $0x0  }
0xed: {  	s3 =	rddreg [dreg:$0x2];
	[bflag:$0x3] =	sbarrier.arrive $0xFFFF;
	s2 =	simm.s32 @!p0 $0x1C09  }
0xee: {  	[timem:s3], [sflag:s2] =	dma.local @!p0 [hbm:s0], s1  }
0xef: {  	s0 =	simm.s32 @!p0 $0x9  }
0xf0: {  	_ =	swait.ge @!p0 [sflag:s0], s1  }
0xf1: {  	s1 =	ssub.s32 @!p0 $0x0, s1;
	[sflag:s0] =	ssyncset.done @!p0 $0x0  }
0xf2: {  	[sflag:s0] =	ssyncadd.s32 @!p0 s1  }
0xf3: {  	[bflag:$0x3] =	sbarrier.arrive $0xFFFF  }
0xf4: {  	_ =	shalt  }

// kernel: kernel.8.cloned.1.call-start
scs
__scs_entry_jumppad:
0x0: {  	(pc) =	sbr.rel $0x88, $3  }
0x1: {  	(tag) =	ssettag $0x0;
	lr =	simm.s32 $0x1  }
0x2: {  	[smem:$0x3F9D] =	sst lr;
	_ =	strace $0xD0000000  }
0x3: {  	_ = 	snop  }
0x4: {  	_ = 	snop  }
0x5: {  	_ = 	snop  }
0x6: {  	_ = 	snop  }
0x7: {  	_ = 	snop  }
__scs_overlays_trampoline_lowered:
0x8: {  	[smem:$0x3FAC] =	sst s0  }
0x9: {  	[smem:$0x3FAD] =	sst s1  }
0xa: {  	[smem:$0x3FAE] =	sst s2  }
0xb: {  	[smem:$0x3FAF] =	sst s3  }
0xc: {  	[smem:$0x3FB0] =	sst s4  }
0xd: {  	[smem:$0x3FB1] =	sst s5  }
0xe: {  	[smem:$0x3FB2] =	sst s6  }
0xf: {  	[smem:$0x3FB3] =	sst s7  }
0x10: {  	[smem:$0x3FB4] =	sst s8  }
0x11: {  	[smem:$0x3FB5] =	sst s9;
	s0 =	simm.s32 @!p0 $0x0  }
0x12: {  	s1 =	sld [smem:$0x3F9B];
	s0 =	simm.s32 @p0 $0x1  }
0x13: {  	[smem:$0x3FB6] =	sst s0;
	s0 =	simm.s32 @!p1 $0x0  }
0x14: {  	s2 =	sld [smem:$0x3F9A];
	s0 =	simm.s32 @p1 $0x1  }
0x15: {  	[smem:$0x3FB7] =	sst s0;
	s0 =	simm.s32 @!p2 $0x0  }
0x16: {  	s3 =	sld [smem:$0x3FDB];
	s0 =	simm.s32 @p2 $0x1  }
0x17: {  	s4 =	simm.s32 $0x1BF5;
	[smem:$0x3FB9] =	sst s0  }
0x18: {  	s0 =	sld [smem:$0x3F9C];
	_ =	swait.ge [sflag:s4], $0x0  }
0x19: {  	s7 =	sld [smem:$0x3F9D]  }
0x1a: {  	s8 =	sadd.s32 $0xFFFFE003, lr  }
0x1b: {  	s9 =	sadd.s32 $0xFFFFFEF7, lr;
	s5 =	simm.s32 $0xFFFFFFFF;
	p2 =	slt.u32 s8, $0xFFFFF086  }
0x1c: {  	p1 =	slt.u32 s9, $0xF7A;
	s5 =	simm.s32 @!p2 $0x0  }
0x1d: {  	s5 =	simm.s32 @p1 $0x1;
	p0 =	seq.s32 s7, s2  }
0x1e: {  	s7 =	smul.u32 @!p0 $0xF7A, s2;
	p2 =	seq.s32 @!p0 s5, $0x0  }
0x1f: {  	s9 =	smul.u32 $0xF7A, s1;
	s8 =	simm.s32 @!p0 $0x1BF5;
	p2 =	por !p2, p0  }
0x20: {  	[sflag:s8] =	ssyncset.s32 @!p0 $0xFFFFF086;
	s6 =	sadd.s32 @!p0 s3, s7;
	s7 =	simm.s32 @!p0 $0x108  }
0x21: {  	s3 =	sadd.s32 s3, s9;
	s6 =	sadd.s32 @!p0 $0x88, s6;
	s7 =	simm.s32 @p2 $0x1082  }
0x22: {  	[simem:s7], [sflag:s8] =	dma.local @!p0 [hbm:s6], $0xF7A  }
0x23: {  	s9 =	sor.u32 $0xD0000000, s2;
	s6 =	simm.s32 $0x108;
	_ =	swait.ge @!p0 [sflag:s8], $0x0  }
0x24: {  	s3 =	sadd.s32 $0x88, s3;
	s6 =	simm.s32 @!p1 $0x1082;
	[sflag:s4] =	ssyncset.s32 $0xFFFFF086  }
0x25: {  	[simem:s6], [sflag:s4] =	dma.local [hbm:s3], $0xF7A  }
0x26: {  	[smem:$0x3F9D] =	sst s1;
	(tag) =	ssettag s2;
	_ =	strace s9  }
0x27: {  	s1 =	sld [smem:$0x3FAD]  }
0x28: {  	s2 =	sld [smem:$0x3FAE]  }
0x29: {  	s4 =	sld [smem:$0x3FB0]  }
0x2a: {  	p0 =	seq.s32 s5, $0x0;
	s5 =	sld [smem:$0x3FB1]  }
0x2b: {  	s6 =	sld [smem:$0x3FB2]  }
0x2c: {  	s7 =	sld [smem:$0x3FB3]  }
0x2d: {  	s3 =	simm.s32 $0x108;
	s8 =	sld [smem:$0x3FB4]  }
0x2e: {  	s3 =	simm.s32 @!p0 $0x1082;
	s9 =	sld [smem:$0x3FB5]  }
0x2f: {  	lr =	sadd.s32 s0, s3;
	s0 =	sld [smem:$0x3FAC]  }
0x30: {  	s3 =	sld [smem:$0x3FAF]  }
0x31: {  	[smem:$0x3FB8] =	sst s10  }
0x32: {  	s10 =	sld [smem:$0x3FB6];
	_ =	sdelay $0x3  }
0x33: {  	p0 =	seq.s32 s10, $0x1;
	s10 =	sld [smem:$0x3FB8];
	_ =	sdelay $0x3  }
0x34: {  	[smem:$0x3FB8] =	sst s10  }
0x35: {  	s10 =	sld [smem:$0x3FB7];
	_ =	sdelay $0x3  }
0x36: {  	p1 =	seq.s32 s10, $0x1;
	s10 =	sld [smem:$0x3FB8];
	_ =	sdelay $0x3  }
0x37: {  	[smem:$0x3FB8] =	sst s10  }
0x38: {  	s10 =	sld [smem:$0x3FB9]  }
0x39: {  	_ = 	snop;
	(pc) =	sbr.ind lr, $3  }
0x3a: {  	_ = 	snop  }
0x3b: {  	_ = 	snop  }
0x3c: {  	p2 =	seq.s32 s10, $0x1;
	s10 =	sld [smem:$0x3FB8]  }
0x3d: {  	_ =	shalt  }
0x3e: {  	_ =	shalt  }
0x3f: {  	_ =	shalt  }
0x40: {  	_ =	shalt  }
0x41: {  	_ =	shalt  }
0x42: {  	_ =	shalt  }
0x43: {  	_ =	shalt  }
0x44: {  	_ =	shalt  }
0x45: {  	_ =	shalt  }
0x46: {  	_ =	shalt  }
0x47: {  	_ =	shalt  }
0x48: {  	_ =	shalt  }
0x49: {  	_ =	shalt  }
0x4a: {  	_ =	shalt  }
0x4b: {  	_ =	shalt  }
0x4c: {  	_ =	shalt  }
0x4d: {  	_ =	shalt  }
0x4e: {  	_ =	shalt  }
0x4f: {  	_ =	shalt  }
0x50: {  	_ =	shalt  }
0x51: {  	_ =	shalt  }
0x52: {  	_ =	shalt  }
0x53: {  	_ =	shalt  }
0x54: {  	_ =	shalt  }
0x55: {  	_ =	shalt  }
0x56: {  	_ =	shalt  }
0x57: {  	_ =	shalt  }
0x58: {  	_ =	shalt  }
0x59: {  	_ =	shalt  }
0x5a: {  	_ =	shalt  }
0x5b: {  	_ =	shalt  }
0x5c: {  	_ =	shalt  }
0x5d: {  	_ =	shalt  }
0x5e: {  	_ =	shalt  }
0x5f: {  	_ =	shalt  }
0x60: {  	_ =	shalt  }
0x61: {  	_ =	shalt  }
0x62: {  	_ =	shalt  }
0x63: {  	_ =	shalt  }
0x64: {  	_ =	shalt  }
0x65: {  	_ =	shalt  }
0x66: {  	_ =	shalt  }
0x67: {  	_ =	shalt  }
0x68: {  	_ =	shalt  }
0x69: {  	_ =	shalt  }
0x6a: {  	_ =	shalt  }
0x6b: {  	_ =	shalt  }
0x6c: {  	_ =	shalt  }
0x6d: {  	_ =	shalt  }
0x6e: {  	_ =	shalt  }
0x6f: {  	_ =	shalt  }
0x70: {  	_ =	shalt  }
0x71: {  	_ =	shalt  }
0x72: {  	_ =	shalt  }
0x73: {  	_ =	shalt  }
0x74: {  	_ =	shalt  }
0x75: {  	_ =	shalt  }
0x76: {  	_ =	shalt  }
0x77: {  	_ =	shalt  }
0x78: {  	_ =	shalt  }
0x79: {  	_ =	shalt  }
0x7a: {  	_ =	shalt  }
0x7b: {  	_ =	shalt  }
0x7c: {  	_ =	shalt  }
0x7d: {  	_ =	shalt  }
0x7e: {  	_ =	shalt  }
0x7f: {  	_ =	shalt  }
0x80: {  	_ =	shalt  }
0x81: {  	_ =	shalt  }
0x82: {  	_ =	shalt  }
0x83: {  	_ =	shalt  }
0x84: {  	_ =	shalt  }
0x85: {  	_ =	shalt  }
0x86: {  	_ =	shalt  }
0x87: {  	_ =	shalt  }
.Lfunc_end0:
.L_simem_size_0:
called_computation_lowered:
.L_overlay_start_0:
0x88: {  	s2 =	sld [smem:$0x3FD9]  }
0x89: {  	s3 =	sld [smem:$0x3FFE];
	_ =	sdelay $0x1  }
0x8a: {  	s1 =	srdreg.scid  }
0x8b: {  	s0 =	sand.u32 $0x1, s1  }
0x8c: {  	s17 =	sshll.u32 s0, $0xA;
	s2 =	sadd.s32 s3, s2  }
0x8d: {  	s2 =	sadd.s32 s2, s17  }
0x8e: {  	[smem:$0x3FC4] =	sst s2  }
0x8f: {  	_ = 	snop  }
0x90: {  	s2 =	sld [smem:$0x3FD0];
	(tm) =	ssettm $0x1  }
0x91: {  	s18 =	sld [smem:$0x3FFB];
	_ =	sdelay $0x3  }
0x92: {  	_ =	strace s18  }
0x93: {  	s3 =	sld [smem:$0x3FFC];
	_ =	sdelay $0x3  }
0x94: {  	_ =	strace s3  }
0x95: {  	s3 =	sld [smem:$0x3FFD];
	_ =	sdelay $0x3  }
0x96: {  	_ =	strace s3  }
0x97: {  	_ =	strace $0x8FFFFFFF  }
0x98: {  	s19 =	sld [smem:$0x3FDB];
	_ =	sdelay $0x1  }
0x99: {  	s4 =	simm.s32 $_scs_section_size  }
0x9a: {  	s5 =	simm.s32 $_size__tile_overlayer_lowered;
	s6 =	simm.s32 $_tile_overlayer_lowered  }
0x9b: {  	s22 =	simm.s32 $0x1BFF;
	s21 =	sshll.u32 s6, $0x1;
	s3 =	sadd.s32 s4, s19  }
0x9c: {  	s7 =	simm.s32 $0x0;
	s20 =	sshll.u32 s5, $0x1;
	s5 =	sadd.s32 s21, s3  }
0x9d: {  	[timem:s7], [sflag:s22] =	dma.local [hbm:s5], s20  }
0x9e: {  	_ =	swait.ge [sflag:s22], s20  }
0x9f: {  	s4 =	ssub.s32 $0x0, s20;
	[sflag:s22] =	ssyncset.done $0x0  }
0xa0: {  	[sflag:s22] =	ssyncadd.s32 s4;
	_ =	sdelay $0x1  }
0xa1: {  	s23 =	simm.s32 $0x1B8B  }
0xa2: {  	_ =	swait.ge [sflag:s23], $0x1  }
0xa3: {  	[sflag:s23] =	ssyncset.done $0x0  }
0xa4: {  	s25 =	simm.s32 $0x1B8E;
	s24 =	sld [smem:$0x3FFE];
	[sflag:s23] =	ssyncadd.s32 $0xFFFFFFFF  }
0xa5: {  	s26 =	simm.s32 $execute0_lowered;
	[smem:$0x3FD2] =	sst s25  }
0xa6: {  	s5 =	sshll.u32 s26, $0x1;
	_ =	strace $0x80000046;
	[dreg:$0x1] =	wrdreg $0xFFFFFFFF  }
0xa7: {  	s28 =	simm.s32 $_size_execute0_lowered;
	s3 =	sadd.s32 s3, s5;
	[dreg:$0x0] =	wrdreg $0x0  }
0xa8: {  	s5 =	sshll.u32 s28, $0x1;
	[dreg:$0x2] =	wrdreg s3  }
0xa9: {  	[dreg:$0x3] =	wrdreg s5  }
0xaa: {  	[dreg:$0x4] =	wrdreg $0xC0  }
0xab: {  	_ =	task [dreg:s7], $0x5FFFF  }
0xac: {  	[dreg:$0x1] =	wrdreg $0xFFFFFFFF  }
0xad: {  	[dreg:$0x0] =	wrdreg $0x60  }
0xae: {  	[dreg:$0x2] =	wrdreg s2  }
0xaf: {  	[dreg:$0x3] =	wrdreg s24  }
0xb0: {  	[dreg:$0x4] =	wrdreg $0x0  }
0xb1: {  	[dreg:$0x5] =	wrdreg $0x9  }
0xb2: {  	_ =	task.clear_ibuf [dreg:s7], $0x6FFFF;
	_ =	strace $0x90000046  }
0xb3: {  	s29 =	simm.s32 $0x9;
	_ =	strace $0x80000048  }
0xb4: {  	_ =	swait.ge [sflag:s29], $0x1  }
0xb5: {  	[sflag:s29] =	ssyncadd.s32 $0xFFFFFFFF  }
0xb6: {  	_ =	strace $0x90000048  }
0xb7: {  	_ =	sfence  }
0xb8: {  	s30 =	sld [smem:$0x0];
	_ =	sdelay $0x2  }
0xb9: {  	s31 =	sshll.u32 s1, $0xD;
	s1 =	sshrl.u32 s1, $0x2  }
0xba: {  	s3 =	sand.u32 $0x4000, s31;
	s1 =	sadd.s32 s1, s30  }
0xbb: {  	s0 =	sor.u32 s3, s0;
	s1 =	sshll.u32 s1, $0x11  }
0xbc: {  	s0 =	sor.u32 s1, s0  }
0xbd: {  	s0 =	sadd.s32 $0x8F2B, s0  }
0xbe: {  	[sflag:s0] =	ssyncadd.remote.s32 $0x1  }
0xbf: {  	_ =	sfence.sel $0xFFFF  }
0xc0: {  	[dreg:$0x0] =	wrdreg $0xFFFFFFFF;
	(pc) =	sbr.abs _section_cstart, $3  }
0xc1: {  	[dreg:$0x1] =	wrdreg $0xFFFFFFFF  }
0xc2: {  	_ =	task.clear_ibuf [dreg:s7], $0x2FFFF;
	_ =	strace $0x9FFFFFFF  }
0xc3: {  	(tm) =	ssettm $0x7FFFFFFF  }
tec
execute0_lowered:
.L_overlay_start_1:
0x0: {  	(tag) =	ssettag $0x1  }
0x1: {  	s7 =	rddreg [dreg:$0x0]  }
0x2: {  	s5 =	rddreg [dreg:$0x1]  }
0x3: {  	s2 =	rddreg [dreg:$0x2]  }
0x4: {  	s0 =	rddreg [dreg:$0x3];
	s3 =	simm.s32 $0x0;
	s1 =	stileid.u32  }
0x5: {  	s4 =	srdreg.scid;
	s15 =	simm.s32 $0x2;
	s6 =	smul.u32 $0x13C00, s1  }
0x6: {  	s16 =	simm.s32 $0x1;
	s17 =	simm.s32 $0x0;
	s11 =	smul.u32 $0x4F000, s1  }
0x7: {  	[smem:$0x7FF] =	sst s3;
	s8 =	sand.u32 $0x1, s4;
	s12 =	smul.u32 $0x5000, s1  }
0x8: {  	s4 =	sadd.s32 $0x3000, s5;
	s31 =	sshll.u32 s1, $0x6;
	s9 =	smul.u32 $0x13C000, s8  }
0x9: {  	_ =	strace $0x80000047;
	s25 =	smul.u32 $0x50000, s8;
	s8 =	ssub.s32 $0x2, s8  }
0xa: {  	s10 =	sshrl.u32 s6, $0x3;
	s26 =	sshrl.u32 s8, $0x1;
	s28 =	sshrl.u32 s11, $0x2  }
0xb: {  	s11 =	simm.s32 $0x3;
	s10 =	sadd.s32 s10, s5;
	s6 =	sadd.s32 s6, s9  }
0xc: {  	s29 =	ssub.s32 s8, s26;
	s14 =	sadd.s32 s28, s2;
	s30 =	sadd.s32 s12, s25  }
0xd: {  	s12 =	simm.s32 $0x13C00;
	s6 =	sshrl.u32 s6, $0x3;
	s9 =	sshrl.u32 s30, $0x3  }
0xe: {  	s13 =	sadd.s32 s6, s5;
	s5 =	sadd.s32 $0x3400, s10;
	s6 =	sor.u32 $0x1C03, s31  }
0xf: {  	s7 =	sadd.s32 s7, s9;
	s9 =	smax.u32 s29, $0x1;
	s10 =	sshrl.u32 s14, $0x3  }
0x10: {  	s14 =	simm.s32 $0x40;
	s8 =	sadd.s32 $0x2AC00, s13;
	s13 =	simm.s32 $0x18C00  }
.LBB2_1:
0x11: {  	[spmem:s10], [sflag:s6] =	dma.local [hbm:s5], $0x2780  }
0x12: {  	_ =	swait.ge [sflag:s11], $0x2780  }
0x13: {  	[sflag:s11] =	ssyncset.done $0x0  }
0x14: {  	[sflag:s11] =	ssyncadd.s32 $0xFFFFD880  }
0x15: {  	[tilespmem:s12], [sflag:$0x3] =	stream.linear.gather [hbm4b:s7+s3], $0x5000, $0x38;
	[tilespmem:$0x1AC00] =	vst v63  }
0x16: {  	_ =	swait.ge [sflag:s11], $0x5000  }
0x17: {  	[sflag:s11] =	ssyncset.done $0x0  }
0x18: {  	[sflag:s11] =	ssyncadd.s32 $0xFFFFB000  }
0x19: {  	[tilespmem:s13], [sflag:$0x3] =	stream.linear.gather [hbm4b:s4+s3], $0x2000, $0x38;
	[tilespmem:$0x1AC00] =	vst v63  }
0x1a: {  	_ =	swait.ge [sflag:s11], $0x2000  }
0x1b: {  	[sflag:s11] =	ssyncset.done $0x0  }
0x1c: {  	s18 =	sand.u32 $0x1, s16;
	s19 =	simm.s32 $0x2;
	[sflag:s11] =	ssyncadd.s32 $0xFFFFE000  }
0x1d: {  	s20 =	simm.s32 $0x1;
	p0 =	seq.s32 s18, $0x1;
	[bflag:$0x0] =	sbarrier.arrive $0xFFFF  }
0x1e: {  	[spmem:s2] =	stream.indirect.scatter.add.f32 [tilespmem:s13], [sflag:$0x1], $0x80, s12, s14, $0xb8;
	[tilespmem:$0x1AC00] =	vst v63  }
0x1f: {  	s18 =	simm.s32 $0x13C80;
	s19 =	simm.s32 @!p0 $0x1;
	s20 =	simm.s32 @!p0 $0x2  }
0x20: {  	[spmem:s2] =	stream.indirect.scatter.add.f32 [tilespmem:s13], [sflag:s19], $0x80, s18, s14, $0xb8;
	[tilespmem:$0x1AC00] =	vst v63  }
0x21: {  	s19 =	simm.s32 $0x2;
	_ =	swait.ge [sflag:s20], $0x2000  }
.LBB2_2:
0x22: {  	s21 =	sand.u32 $0x1, s19  }
0x23: {  	[sflag:s20] =	ssyncset.done $0x0;
	s18 =	sadd.s32 $0x80, s18;
	p1 =	sne.s32 s19, $0x9F  }
0x24: {  	p0 =	seq.s32 s21, $0x1;
	[sflag:s20] =	ssyncadd.s32 $0xFFFFE000;
	s20 =	simm.s32 $0x2  }
.Ltmp0:
0x25: {  	s19 =	sadd.s32 $0x1, s19;
	s20 =	simm.s32 @!p0 $0x1;
	(pc) =	sbr.rel @p1 .LBB2_2-.Ltmp0, $4  }
0x26: {  	[spmem:s2] =	stream.indirect.scatter.add.f32 [tilespmem:s13], [sflag:s20], $0x80, s18, s14, $0xb8;
	[tilespmem:$0x1AC00] =	vst v63  }
0x27: {  	s20 =	simm.s32 $0x1  }
0x28: {  	s20 =	simm.s32 @!p0 $0x2  }
0x29: {  	_ =	swait.ge [sflag:s20], $0x2000  }
0x2a: {  	[sflag:s20] =	ssyncset.done $0x0  }
0x2b: {  	[sflag:s20] =	ssyncadd.s32 $0xFFFFE000  }
0x2c: {  	_ =	swait.ge [sflag:s15], $0x2000  }
0x2d: {  	s17 =	sadd.s32 $0x1, s17;
	[sflag:s15] =	ssyncset.done $0x0  }
0x2e: {  	p0 =	sne.s32 s17, s9;
	[sflag:s15] =	ssyncadd.s32 $0xFFFFE000  }
.Ltmp1:
0x2f: {  	[bflag:$0x0] =	sbarrier.arrive $0xFFFF;
	(pc) =	sbr.rel @p0 .LBB2_1-.Ltmp1, $4  }
0x30: {  	[hbm:s8], [sflag:s6] =	dma.local [spmem:s10], $0x2780  }
0x31: {  	_ =	swait.ge [sflag:s11], $0x2780  }
0x32: {  	[sflag:s11] =	ssyncset.done $0x0  }
0x33: {  	[sflag:s11] =	ssyncadd.s32 $0xFFFFD880  }
0x34: {  	_ =	sfence.sel $0x180000  }
0x35: {  	[bflag:$0x0] =	sbarrier.arrive $0xFFFF  }
0x36: {  	p0 =	sne.s32 s1, $0x0;
	_ =	strace $0x90000047  }
0x37: {  	s0 =	sadd.s32 @!p0 $0x100000, s0;
	[bflag:$0x2] =	sbarrier.arrive $0xFFFF  }
0x38: {  	[sflag:s0] =	ssyncadd.tile.s32 @!p0 $0x1;
	_ =	shalt  }
.Lfunc_end2:
_tile_overlayer_lowered:
.L_overlay_start_2:
0x39: {  	(tag) =	ssettag $0x2  }
0x3a: {  	s0 =	rddreg [dreg:$0x0];
	s2 =	stileid.u32  }
0x3b: {  	s1 =	rddreg [dreg:$0x1];
	p0 =	sne.s32 s2, $0x0  }
0x3c: {  	s3 =	rddreg [dreg:$0x2];
	[bflag:$0x3] =	sbarrier.arrive $0xFFFF;
	s2 =	simm.s32 @!p0 $0x1C03  }
0x3d: {  	[timem:s3], [sflag:s2] =	dma.local @!p0 [hbm:s0], s1  }
0x3e: {  	s0 =	simm.s32 @!p0 $0x3  }
0x3f: {  	_ =	swait.ge @!p0 [sflag:s0], s1  }
0x40: {  	s1 =	ssub.s32 @!p0 $0x0, s1;
	[sflag:s0] =	ssyncset.done @!p0 $0x0  }
0x41: {  	[sflag:s0] =	ssyncadd.s32 @!p0 s1  }
0x42: {  	[bflag:$0x3] =	sbarrier.arrive $0xFFFF  }
0x43: {  	_ =	shalt  }

</sc_bundles>
